<compile_context>
chip_gen: v7x
topology: tpu7x:2x2x1
jax: 0.10.2.dev20260603
libtpu: 0.0.44.dev20260713+nightly
codegen_flags: <defaults>
</compile_context>

<pallas_src>
import functools

import jax
import jax.numpy as jnp
from jax import lax
from jax.experimental import pallas as pl
from jax.experimental.pallas import tpu as pltpu
from jax.experimental.pallas import tpu_sc as plsc

D_MODEL = 1024
NUM_CORES = 2
NUM_SUBCORES = 16
NUM_WORKERS = NUM_CORES * NUM_SUBCORES
CHUNK = 16
NBUF = 4


@functools.partial(jax.jit, static_argnames=())
def _gather_rows(ids2, pe):
    nchunk = ids2.shape[1]
    b_per_w = nchunk * CHUNK
    total = NUM_WORKERS * b_per_w
    mesh = plsc.VectorSubcoreMesh(
        core_axis_name="c", subcore_axis_name="s",
        num_cores=NUM_CORES, num_subcores=NUM_SUBCORES)

    @functools.partial(
        pl.kernel,
        mesh=mesh,
        out_type=jax.ShapeDtypeStruct((total, D_MODEL), jnp.float32),
        scratch_types=[
            pltpu.VMEM((nchunk, CHUNK), jnp.int32),
        ] + [pltpu.VMEM((CHUNK, D_MODEL), jnp.float32)] * NBUF
          + [pltpu.SemaphoreType.DMA] * NBUF,
    )
    def k(ids_hbm, pe_hbm, out_hbm, idx_v, *bufs_sems):
        bufs = bufs_sems[:NBUF]
        sems = bufs_sems[NBUF:]
        wid = lax.axis_index("s") * NUM_CORES + lax.axis_index("c")
        base = wid * b_per_w
        pltpu.sync_copy(ids_hbm.at[wid], idx_v)
        for b in range(NBUF):
            pltpu.async_copy(pe_hbm.at[idx_v.at[b]], bufs[b], sems[b])

        @pl.loop(0, nchunk - NBUF, step=NBUF)
        def _(g):
            for b in range(NBUF):
                chunk = g + b
                pltpu.make_async_copy(
                    pe_hbm.at[idx_v.at[chunk]], bufs[b], sems[b]).wait()
                pltpu.sync_copy(
                    bufs[b], out_hbm.at[pl.ds(base + chunk * CHUNK, CHUNK)])
                pltpu.async_copy(
                    pe_hbm.at[idx_v.at[chunk + NBUF]], bufs[b], sems[b])

        for b in range(NBUF):
            chunk = nchunk - NBUF + b
            pltpu.make_async_copy(
                pe_hbm.at[idx_v.at[chunk]], bufs[b], sems[b]).wait()
            pltpu.sync_copy(
                bufs[b], out_hbm.at[pl.ds(base + chunk * CHUNK, CHUNK)])

    return k(ids2, pe)


def kernel(ids, pe):
    n, s = ids.shape
    total = n * s
    b_per_w = total // NUM_WORKERS
    nchunk = b_per_w // CHUNK
    ids2 = ids.reshape(NUM_WORKERS, nchunk, CHUNK).astype(jnp.int32)
    out = _gather_rows(ids2, pe)
    return out.reshape(n, s, D_MODEL)

# --- scband reference (transcript-rebuilt; emitter-appended) ---
"""Pipeline reference for scband-positional-encoding-3633542332638 (READ-ONLY COPY).

The authoritative reference and input builder live on the scoring server;
editing this copy changes nothing except your own understanding.
"""

import math
import jax, jax.numpy as jnp
import numpy as np

D_MODEL = 1024
MAX_LEN = 10000

def _build_pe():
    position = np.arange(0, MAX_LEN, dtype=np.float32)[:, None]
    div_term = np.exp(np.arange(0, D_MODEL, 2, dtype=np.float32) * (-math.log(500000.0) / D_MODEL))
    pe = np.zeros((MAX_LEN, D_MODEL), dtype=np.float32)
    pe[:, 0::2] = np.sin(position * div_term)
    pe[:, 1::2] = np.cos(position * div_term)
    return jnp.asarray(pe)

def setup_inputs(seed: int = 0) -> dict:
    key = jax.random.key(seed)
    ids = jax.random.randint(key, (4, 8192), 0, MAX_LEN, dtype=jnp.int64 if jax.config.read('jax_enable_x64') else jnp.int32)
    pe = _build_pe()
    return {"ids": ids, "pe": pe}

def reference(ids, pe):
    # Gather rows of the sinusoidal table: shape (N, S, d_model)
    return jnp.take(pe, ids, axis=0)

if __name__ == "__main__":
    import jax
    _d = setup_inputs()
    print(jax.jit(kernel)(*tuple(_d.values())))

</pallas_src>

<mosaic_0001>
#map = affine_map<(d0, d1) -> (0, 0, 0)>
#map1 = affine_map<(d0, d1) -> (0, 0)>
module attributes {stable_mosaic.version = 14 : i64} {
  func.func @k(%arg0: i32, %arg1: i32, %arg2: memref<32x64x16xi32, #tpu.memory_space<hbm>>, %arg3: memref<10000x1024xf32, #tpu.memory_space<hbm>>, %arg4: memref<32768x1024xf32, #tpu.memory_space<hbm>>, %arg5: memref<64x16xi32, #tpu.memory_space<vmem>>, %arg6: memref<16x1024xf32, #tpu.memory_space<vmem>>, %arg7: memref<16x1024xf32, #tpu.memory_space<vmem>>, %arg8: memref<16x1024xf32, #tpu.memory_space<vmem>>, %arg9: memref<16x1024xf32, #tpu.memory_space<vmem>>, %arg10: memref<!tpu.dma_semaphore, #tpu.memory_space<semaphore_mem>>, %arg11: memref<!tpu.dma_semaphore, #tpu.memory_space<semaphore_mem>>, %arg12: memref<!tpu.dma_semaphore, #tpu.memory_space<semaphore_mem>>, %arg13: memref<!tpu.dma_semaphore, #tpu.memory_space<semaphore_mem>>) attributes {dimension_semantics = [#tpu.dimension_semantics<core_parallel>, #tpu.dimension_semantics<subcore_parallel>], iteration_bounds = array<i64: 2, 16>, scalar_prefetch = 0 : i64, scratch_operands = 9 : i64, tpu.core_type = #tpu.core_type<sc_vector_subcore>, window_params = [{transform_indices = #map}, {transform_indices = #map1}, {transform_indices = #map1}]} {
    %mul3A = arith.constant 2 : i32
    %mul3A_0 = arith.muli %arg1, %mul3A : i32
    %add3A = arith.addi %mul3A_0, %arg0 : i32
    %mul3A_1 = arith.constant 1024 : i32
    %mul3A_2 = arith.muli %add3A, %mul3A_1 : i32
    "tpu.region"() ({
      %run_scoped3A = tpu.sem_alloc : memref<!tpu.dma_semaphore, #tpu.memory_space<semaphore_mem>>
      %dma_start3A_69 = arith.constant 0 : i32
      %dma_start3A_70 = arith.constant 0 : i32
      %dma_start3A_71 = tpu.memref_slice %arg2[%add3A, %dma_start3A_69, %dma_start3A_70] : memref<32x64x16xi32, #tpu.memory_space<hbm>> -> memref<1x64x16xi32, #tpu.memory_space<hbm>>
      %dma_start3A_72 = tpu.memref_squeeze %dma_start3A_71 : memref<1x64x16xi32, #tpu.memory_space<hbm>> -> memref<64x16xi32, #tpu.memory_space<hbm>>
      %dma_start3A_73 = arith.constant 0 : i32
      %dma_start3A_74 = arith.constant 0 : i32
      %dma_start3A_75 = tpu.memref_slice %arg2[%add3A, %dma_start3A_73, %dma_start3A_74] : memref<32x64x16xi32, #tpu.memory_space<hbm>> -> memref<1x64x16xi32, #tpu.memory_space<hbm>>
      %dma_start3A_76 = tpu.memref_squeeze %dma_start3A_75 : memref<1x64x16xi32, #tpu.memory_space<hbm>> -> memref<64x16xi32, #tpu.memory_space<hbm>>
      tpu.enqueue_dma source(%dma_start3A_76 : memref<64x16xi32, #tpu.memory_space<hbm>>) target(%arg5 : memref<64x16xi32, #tpu.memory_space<vmem>>) target_semaphore(%run_scoped3A : memref<!tpu.dma_semaphore, #tpu.memory_space<semaphore_mem>>)
      %dma_wait3A_77 = arith.constant 0 : i32
      %dma_wait3A_78 = arith.constant 0 : i32
      %dma_wait3A_79 = tpu.memref_slice %arg2[%add3A, %dma_wait3A_77, %dma_wait3A_78] : memref<32x64x16xi32, #tpu.memory_space<hbm>> -> memref<1x64x16xi32, #tpu.memory_space<hbm>>
      %dma_wait3A_80 = tpu.memref_squeeze %dma_wait3A_79 : memref<1x64x16xi32, #tpu.memory_space<hbm>> -> memref<64x16xi32, #tpu.memory_space<hbm>>
      %dma_wait3A_81 = arith.constant 0 : i32
      %dma_wait3A_82 = arith.constant 0 : i32
      %dma_wait3A_83 = tpu.memref_slice %arg2[%add3A, %dma_wait3A_81, %dma_wait3A_82] : memref<32x64x16xi32, #tpu.memory_space<hbm>> -> memref<1x64x16xi32, #tpu.memory_space<hbm>>
      %dma_wait3A_84 = tpu.memref_squeeze %dma_wait3A_83 : memref<1x64x16xi32, #tpu.memory_space<hbm>> -> memref<64x16xi32, #tpu.memory_space<hbm>>
      tpu.wait_dma2 semaphore(%run_scoped3A : memref<!tpu.dma_semaphore, #tpu.memory_space<semaphore_mem>>) src(%dma_wait3A_84 : memref<64x16xi32, #tpu.memory_space<hbm>>) dst(%arg5 : memref<64x16xi32, #tpu.memory_space<vmem>>)
      tpu.yield
    }) : () -> ()
    %dma_start3A = arith.constant 0 : i32
    %dma_start3A_3 = arith.constant 0 : i32
    %dma_start3A_4 = tpu.memref_slice %arg5[%dma_start3A, %dma_start3A_3] : memref<64x16xi32, #tpu.memory_space<vmem>> -> memref<1x16xi32, #tpu.memory_space<vmem>>
    %dma_start3A_5 = tpu.memref_squeeze %dma_start3A_4 : memref<1x16xi32, #tpu.memory_space<vmem>> -> memref<16xi32, #tpu.memory_space<vmem>>
    %dma_start3A_6 = arith.constant 0 : i32
    %dma_start3A_7 = arith.constant 0 : i32
    %dma_start3A_8 = tpu.memref_slice %arg3[%dma_start3A_6, %dma_start3A_7] : memref<10000x1024xf32, #tpu.memory_space<hbm>> -> memref<10000x1024xf32, #tpu.memory_space<hbm>>
    tpu.enqueue_indirect_dma source(%dma_start3A_8 : memref<10000x1024xf32, #tpu.memory_space<hbm>>) target(%arg6 : memref<16x1024xf32, #tpu.memory_space<vmem>>) offsets(%dma_start3A_5 : memref<16xi32, #tpu.memory_space<vmem>>) semaphore(%arg10 : memref<!tpu.dma_semaphore, #tpu.memory_space<semaphore_mem>>)
    %dma_start3A_9 = arith.constant 1 : i32
    %dma_start3A_10 = arith.constant 0 : i32
    %dma_start3A_11 = tpu.memref_slice %arg5[%dma_start3A_9, %dma_start3A_10] : memref<64x16xi32, #tpu.memory_space<vmem>> -> memref<1x16xi32, #tpu.memory_space<vmem>>
    %dma_start3A_12 = tpu.memref_squeeze %dma_start3A_11 : memref<1x16xi32, #tpu.memory_space<vmem>> -> memref<16xi32, #tpu.memory_space<vmem>>
    %dma_start3A_13 = arith.constant 0 : i32
    %dma_start3A_14 = arith.constant 0 : i32
    %dma_start3A_15 = tpu.memref_slice %arg3[%dma_start3A_13, %dma_start3A_14] : memref<10000x1024xf32, #tpu.memory_space<hbm>> -> memref<10000x1024xf32, #tpu.memory_space<hbm>>
    tpu.enqueue_indirect_dma source(%dma_start3A_15 : memref<10000x1024xf32, #tpu.memory_space<hbm>>) target(%arg7 : memref<16x1024xf32, #tpu.memory_space<vmem>>) offsets(%dma_start3A_12 : memref<16xi32, #tpu.memory_space<vmem>>) semaphore(%arg11 : memref<!tpu.dma_semaphore, #tpu.memory_space<semaphore_mem>>)
    %dma_start3A_16 = arith.constant 2 : i32
    %dma_start3A_17 = arith.constant 0 : i32
    %dma_start3A_18 = tpu.memref_slice %arg5[%dma_start3A_16, %dma_start3A_17] : memref<64x16xi32, #tpu.memory_space<vmem>> -> memref<1x16xi32, #tpu.memory_space<vmem>>
    %dma_start3A_19 = tpu.memref_squeeze %dma_start3A_18 : memref<1x16xi32, #tpu.memory_space<vmem>> -> memref<16xi32, #tpu.memory_space<vmem>>
    %dma_start3A_20 = arith.constant 0 : i32
    %dma_start3A_21 = arith.constant 0 : i32
    %dma_start3A_22 = tpu.memref_slice %arg3[%dma_start3A_20, %dma_start3A_21] : memref<10000x1024xf32, #tpu.memory_space<hbm>> -> memref<10000x1024xf32, #tpu.memory_space<hbm>>
    tpu.enqueue_indirect_dma source(%dma_start3A_22 : memref<10000x1024xf32, #tpu.memory_space<hbm>>) target(%arg8 : memref<16x1024xf32, #tpu.memory_space<vmem>>) offsets(%dma_start3A_19 : memref<16xi32, #tpu.memory_space<vmem>>) semaphore(%arg12 : memref<!tpu.dma_semaphore, #tpu.memory_space<semaphore_mem>>)
    %dma_start3A_23 = arith.constant 3 : i32
    %dma_start3A_24 = arith.constant 0 : i32
    %dma_start3A_25 = tpu.memref_slice %arg5[%dma_start3A_23, %dma_start3A_24] : memref<64x16xi32, #tpu.memory_space<vmem>> -> memref<1x16xi32, #tpu.memory_space<vmem>>
    %dma_start3A_26 = tpu.memref_squeeze %dma_start3A_25 : memref<1x16xi32, #tpu.memory_space<vmem>> -> memref<16xi32, #tpu.memory_space<vmem>>
    %dma_start3A_27 = arith.constant 0 : i32
    %dma_start3A_28 = arith.constant 0 : i32
    %dma_start3A_29 = tpu.memref_slice %arg3[%dma_start3A_27, %dma_start3A_28] : memref<10000x1024xf32, #tpu.memory_space<hbm>> -> memref<10000x1024xf32, #tpu.memory_space<hbm>>
    tpu.enqueue_indirect_dma source(%dma_start3A_29 : memref<10000x1024xf32, #tpu.memory_space<hbm>>) target(%arg9 : memref<16x1024xf32, #tpu.memory_space<vmem>>) offsets(%dma_start3A_26 : memref<16xi32, #tpu.memory_space<vmem>>) semaphore(%arg13 : memref<!tpu.dma_semaphore, #tpu.memory_space<semaphore_mem>>)
    %scan3A = arith.constant 0 : i32
    %scan3A_30 = arith.constant 15 : i32
    %scan3A_31 = arith.addi %scan3A, %scan3A_30 : i32
    %scan3A_32 = arith.constant 1 : i32
    scf.for %scan3A_69 = %scan3A to %scan3A_31 step %scan3A_32  : i32 {
      %mul3A_70 = arith.constant 4 : i32
      %mul3A_71 = arith.muli %scan3A_69, %mul3A_70 : i32
      %add3A_72 = arith.constant 0 : i32
      %add3A_73 = arith.addi %add3A_72, %mul3A_71 : i32
      %add3A_74 = arith.constant 0 : i32
      %add3A_75 = arith.addi %add3A_73, %add3A_74 : i32
      %dma_wait3A_76 = arith.constant 0 : i32
      %dma_wait3A_77 = tpu.memref_slice %arg5[%add3A_75, %dma_wait3A_76] : memref<64x16xi32, #tpu.memory_space<vmem>> -> memref<1x16xi32, #tpu.memory_space<vmem>>
      %dma_wait3A_78 = tpu.memref_squeeze %dma_wait3A_77 : memref<1x16xi32, #tpu.memory_space<vmem>> -> memref<16xi32, #tpu.memory_space<vmem>>
      %dma_wait3A_79 = arith.constant 0 : i32
      %dma_wait3A_80 = arith.constant 0 : i32
      %dma_wait3A_81 = tpu.memref_slice %arg3[%dma_wait3A_79, %dma_wait3A_80] : memref<10000x1024xf32, #tpu.memory_space<hbm>> -> memref<10000x1024xf32, #tpu.memory_space<hbm>>
      tpu.wait_indirect_dma semaphore(%arg10 : memref<!tpu.dma_semaphore, #tpu.memory_space<semaphore_mem>>) src(%dma_wait3A_81 : memref<10000x1024xf32, #tpu.memory_space<hbm>>) dst(%arg6 : memref<16x1024xf32, #tpu.memory_space<vmem>>)
      %mul3A_82 = arith.constant 16 : i32
      %mul3A_83 = arith.muli %add3A_75, %mul3A_82 : i32
      %add3A_84 = arith.addi %mul3A_2, %mul3A_83 : i32
      "tpu.region"() ({
        %run_scoped3A = tpu.sem_alloc : memref<!tpu.dma_semaphore, #tpu.memory_space<semaphore_mem>>
        %dma_start3A_150 = arith.constant 0 : i32
        %dma_start3A_151 = tpu.memref_slice %arg4[%add3A_84, %dma_start3A_150] : memref<32768x1024xf32, #tpu.memory_space<hbm>> -> memref<16x1024xf32, #tpu.memory_space<hbm>>
        %dma_start3A_152 = arith.constant 0 : i32
        %dma_start3A_153 = tpu.memref_slice %arg4[%add3A_84, %dma_start3A_152] : memref<32768x1024xf32, #tpu.memory_space<hbm>> -> memref<16x1024xf32, #tpu.memory_space<hbm>>
        tpu.enqueue_dma source(%arg6 : memref<16x1024xf32, #tpu.memory_space<vmem>>) target(%dma_start3A_153 : memref<16x1024xf32, #tpu.memory_space<hbm>>) target_semaphore(%run_scoped3A : memref<!tpu.dma_semaphore, #tpu.memory_space<semaphore_mem>>)
        %dma_wait3A_154 = arith.constant 0 : i32
        %dma_wait3A_155 = tpu.memref_slice %arg4[%add3A_84, %dma_wait3A_154] : memref<32768x1024xf32, #tpu.memory_space<hbm>> -> memref<16x1024xf32, #tpu.memory_space<hbm>>
        %dma_wait3A_156 = arith.constant 0 : i32
        %dma_wait3A_157 = tpu.memref_slice %arg4[%add3A_84, %dma_wait3A_156] : memref<32768x1024xf32, #tpu.memory_space<hbm>> -> memref<16x1024xf32, #tpu.memory_space<hbm>>
        tpu.wait_dma2 semaphore(%run_scoped3A : memref<!tpu.dma_semaphore, #tpu.memory_space<semaphore_mem>>) src(%arg6 : memref<16x1024xf32, #tpu.memory_space<vmem>>) dst(%dma_wait3A_157 : memref<16x1024xf32, #tpu.memory_space<hbm>>)
        tpu.yield
      }) : () -> ()
      %add3A_85 = arith.constant 4 : i32
      %add3A_86 = arith.addi %add3A_75, %add3A_85 : i32
      %dma_start3A_87 = arith.constant 0 : i32
      %dma_start3A_88 = tpu.memref_slice %arg5[%add3A_86, %dma_start3A_87] : memref<64x16xi32, #tpu.memory_space<vmem>> -> memref<1x16xi32, #tpu.memory_space<vmem>>
      %dma_start3A_89 = tpu.memref_squeeze %dma_start3A_88 : memref<1x16xi32, #tpu.memory_space<vmem>> -> memref<16xi32, #tpu.memory_space<vmem>>
      %dma_start3A_90 = arith.constant 0 : i32
      %dma_start3A_91 = arith.constant 0 : i32
      %dma_start3A_92 = tpu.memref_slice %arg3[%dma_start3A_90, %dma_start3A_91] : memref<10000x1024xf32, #tpu.memory_space<hbm>> -> memref<10000x1024xf32, #tpu.memory_space<hbm>>
      tpu.enqueue_indirect_dma source(%dma_start3A_92 : memref<10000x1024xf32, #tpu.memory_space<hbm>>) target(%arg6 : memref<16x1024xf32, #tpu.memory_space<vmem>>) offsets(%dma_start3A_89 : memref<16xi32, #tpu.memory_space<vmem>>) semaphore(%arg10 : memref<!tpu.dma_semaphore, #tpu.memory_space<semaphore_mem>>)
      %add3A_93 = arith.constant 1 : i32
      %add3A_94 = arith.addi %add3A_73, %add3A_93 : i32
      %dma_wait3A_95 = arith.constant 0 : i32
      %dma_wait3A_96 = tpu.memref_slice %arg5[%add3A_94, %dma_wait3A_95] : memref<64x16xi32, #tpu.memory_space<vmem>> -> memref<1x16xi32, #tpu.memory_space<vmem>>
      %dma_wait3A_97 = tpu.memref_squeeze %dma_wait3A_96 : memref<1x16xi32, #tpu.memory_space<vmem>> -> memref<16xi32, #tpu.memory_space<vmem>>
      %dma_wait3A_98 = arith.constant 0 : i32
      %dma_wait3A_99 = arith.constant 0 : i32
      %dma_wait3A_100 = tpu.memref_slice %arg3[%dma_wait3A_98, %dma_wait3A_99] : memref<10000x1024xf32, #tpu.memory_space<hbm>> -> memref<10000x1024xf32, #tpu.memory_space<hbm>>
      tpu.wait_indirect_dma semaphore(%arg11 : memref<!tpu.dma_semaphore, #tpu.memory_space<semaphore_mem>>) src(%dma_wait3A_100 : memref<10000x1024xf32, #tpu.memory_space<hbm>>) dst(%arg7 : memref<16x1024xf32, #tpu.memory_space<vmem>>)
      %mul3A_101 = arith.constant 16 : i32
      %mul3A_102 = arith.muli %add3A_94, %mul3A_101 : i32
      %add3A_103 = arith.addi %mul3A_2, %mul3A_102 : i32
      "tpu.region"() ({
        %run_scoped3A = tpu.sem_alloc : memref<!tpu.dma_semaphore, #tpu.memory_space<semaphore_mem>>
        %dma_start3A_150 = arith.constant 0 : i32
        %dma_start3A_151 = tpu.memref_slice %arg4[%add3A_103, %dma_start3A_150] : memref<32768x1024xf32, #tpu.memory_space<hbm>> -> memref<16x1024xf32, #tpu.memory_space<hbm>>
        %dma_start3A_152 = arith.constant 0 : i32
        %dma_start3A_153 = tpu.memref_slice %arg4[%add3A_103, %dma_start3A_152] : memref<32768x1024xf32, #tpu.memory_space<hbm>> -> memref<16x1024xf32, #tpu.memory_space<hbm>>
        tpu.enqueue_dma source(%arg7 : memref<16x1024xf32, #tpu.memory_space<vmem>>) target(%dma_start3A_153 : memref<16x1024xf32, #tpu.memory_space<hbm>>) target_semaphore(%run_scoped3A : memref<!tpu.dma_semaphore, #tpu.memory_space<semaphore_mem>>)
        %dma_wait3A_154 = arith.constant 0 : i32
        %dma_wait3A_155 = tpu.memref_slice %arg4[%add3A_103, %dma_wait3A_154] : memref<32768x1024xf32, #tpu.memory_space<hbm>> -> memref<16x1024xf32, #tpu.memory_space<hbm>>
        %dma_wait3A_156 = arith.constant 0 : i32
        %dma_wait3A_157 = tpu.memref_slice %arg4[%add3A_103, %dma_wait3A_156] : memref<32768x1024xf32, #tpu.memory_space<hbm>> -> memref<16x1024xf32, #tpu.memory_space<hbm>>
        tpu.wait_dma2 semaphore(%run_scoped3A : memref<!tpu.dma_semaphore, #tpu.memory_space<semaphore_mem>>) src(%arg7 : memref<16x1024xf32, #tpu.memory_space<vmem>>) dst(%dma_wait3A_157 : memref<16x1024xf32, #tpu.memory_space<hbm>>)
        tpu.yield
      }) : () -> ()
      %add3A_104 = arith.constant 4 : i32
      %add3A_105 = arith.addi %add3A_94, %add3A_104 : i32
      %dma_start3A_106 = arith.constant 0 : i32
      %dma_start3A_107 = tpu.memref_slice %arg5[%add3A_105, %dma_start3A_106] : memref<64x16xi32, #tpu.memory_space<vmem>> -> memref<1x16xi32, #tpu.memory_space<vmem>>
      %dma_start3A_108 = tpu.memref_squeeze %dma_start3A_107 : memref<1x16xi32, #tpu.memory_space<vmem>> -> memref<16xi32, #tpu.memory_space<vmem>>
      %dma_start3A_109 = arith.constant 0 : i32
      %dma_start3A_110 = arith.constant 0 : i32
      %dma_start3A_111 = tpu.memref_slice %arg3[%dma_start3A_109, %dma_start3A_110] : memref<10000x1024xf32, #tpu.memory_space<hbm>> -> memref<10000x1024xf32, #tpu.memory_space<hbm>>
      tpu.enqueue_indirect_dma source(%dma_start3A_111 : memref<10000x1024xf32, #tpu.memory_space<hbm>>) target(%arg7 : memref<16x1024xf32, #tpu.memory_space<vmem>>) offsets(%dma_start3A_108 : memref<16xi32, #tpu.memory_space<vmem>>) semaphore(%arg11 : memref<!tpu.dma_semaphore, #tpu.memory_space<semaphore_mem>>)
      %add3A_112 = arith.constant 2 : i32
      %add3A_113 = arith.addi %add3A_73, %add3A_112 : i32
      %dma_wait3A_114 = arith.constant 0 : i32
      %dma_wait3A_115 = tpu.memref_slice %arg5[%add3A_113, %dma_wait3A_114] : memref<64x16xi32, #tpu.memory_space<vmem>> -> memref<1x16xi32, #tpu.memory_space<vmem>>
      %dma_wait3A_116 = tpu.memref_squeeze %dma_wait3A_115 : memref<1x16xi32, #tpu.memory_space<vmem>> -> memref<16xi32, #tpu.memory_space<vmem>>
      %dma_wait3A_117 = arith.constant 0 : i32
      %dma_wait3A_118 = arith.constant 0 : i32
      %dma_wait3A_119 = tpu.memref_slice %arg3[%dma_wait3A_117, %dma_wait3A_118] : memref<10000x1024xf32, #tpu.memory_space<hbm>> -> memref<10000x1024xf32, #tpu.memory_space<hbm>>
      tpu.wait_indirect_dma semaphore(%arg12 : memref<!tpu.dma_semaphore, #tpu.memory_space<semaphore_mem>>) src(%dma_wait3A_119 : memref<10000x1024xf32, #tpu.memory_space<hbm>>) dst(%arg8 : memref<16x1024xf32, #tpu.memory_space<vmem>>)
      %mul3A_120 = arith.constant 16 : i32
      %mul3A_121 = arith.muli %add3A_113, %mul3A_120 : i32
      %add3A_122 = arith.addi %mul3A_2, %mul3A_121 : i32
      "tpu.region"() ({
        %run_scoped3A = tpu.sem_alloc : memref<!tpu.dma_semaphore, #tpu.memory_space<semaphore_mem>>
        %dma_start3A_150 = arith.constant 0 : i32
        %dma_start3A_151 = tpu.memref_slice %arg4[%add3A_122, %dma_start3A_150] : memref<32768x1024xf32, #tpu.memory_space<hbm>> -> memref<16x1024xf32, #tpu.memory_space<hbm>>
        %dma_start3A_152 = arith.constant 0 : i32
        %dma_start3A_153 = tpu.memref_slice %arg4[%add3A_122, %dma_start3A_152] : memref<32768x1024xf32, #tpu.memory_space<hbm>> -> memref<16x1024xf32, #tpu.memory_space<hbm>>
        tpu.enqueue_dma source(%arg8 : memref<16x1024xf32, #tpu.memory_space<vmem>>) target(%dma_start3A_153 : memref<16x1024xf32, #tpu.memory_space<hbm>>) target_semaphore(%run_scoped3A : memref<!tpu.dma_semaphore, #tpu.memory_space<semaphore_mem>>)
        %dma_wait3A_154 = arith.constant 0 : i32
        %dma_wait3A_155 = tpu.memref_slice %arg4[%add3A_122, %dma_wait3A_154] : memref<32768x1024xf32, #tpu.memory_space<hbm>> -> memref<16x1024xf32, #tpu.memory_space<hbm>>
        %dma_wait3A_156 = arith.constant 0 : i32
        %dma_wait3A_157 = tpu.memref_slice %arg4[%add3A_122, %dma_wait3A_156] : memref<32768x1024xf32, #tpu.memory_space<hbm>> -> memref<16x1024xf32, #tpu.memory_space<hbm>>
        tpu.wait_dma2 semaphore(%run_scoped3A : memref<!tpu.dma_semaphore, #tpu.memory_space<semaphore_mem>>) src(%arg8 : memref<16x1024xf32, #tpu.memory_space<vmem>>) dst(%dma_wait3A_157 : memref<16x1024xf32, #tpu.memory_space<hbm>>)
        tpu.yield
      }) : () -> ()
      %add3A_123 = arith.constant 4 : i32
      %add3A_124 = arith.addi %add3A_113, %add3A_123 : i32
      %dma_start3A_125 = arith.constant 0 : i32
      %dma_start3A_126 = tpu.memref_slice %arg5[%add3A_124, %dma_start3A_125] : memref<64x16xi32, #tpu.memory_space<vmem>> -> memref<1x16xi32, #tpu.memory_space<vmem>>
      %dma_start3A_127 = tpu.memref_squeeze %dma_start3A_126 : memref<1x16xi32, #tpu.memory_space<vmem>> -> memref<16xi32, #tpu.memory_space<vmem>>
      %dma_start3A_128 = arith.constant 0 : i32
      %dma_start3A_129 = arith.constant 0 : i32
      %dma_start3A_130 = tpu.memref_slice %arg3[%dma_start3A_128, %dma_start3A_129] : memref<10000x1024xf32, #tpu.memory_space<hbm>> -> memref<10000x1024xf32, #tpu.memory_space<hbm>>
      tpu.enqueue_indirect_dma source(%dma_start3A_130 : memref<10000x1024xf32, #tpu.memory_space<hbm>>) target(%arg8 : memref<16x1024xf32, #tpu.memory_space<vmem>>) offsets(%dma_start3A_127 : memref<16xi32, #tpu.memory_space<vmem>>) semaphore(%arg12 : memref<!tpu.dma_semaphore, #tpu.memory_space<semaphore_mem>>)
      %add3A_131 = arith.constant 3 : i32
      %add3A_132 = arith.addi %add3A_73, %add3A_131 : i32
      %dma_wait3A_133 = arith.constant 0 : i32
      %dma_wait3A_134 = tpu.memref_slice %arg5[%add3A_132, %dma_wait3A_133] : memref<64x16xi32, #tpu.memory_space<vmem>> -> memref<1x16xi32, #tpu.memory_space<vmem>>
      %dma_wait3A_135 = tpu.memref_squeeze %dma_wait3A_134 : memref<1x16xi32, #tpu.memory_space<vmem>> -> memref<16xi32, #tpu.memory_space<vmem>>
      %dma_wait3A_136 = arith.constant 0 : i32
      %dma_wait3A_137 = arith.constant 0 : i32
      %dma_wait3A_138 = tpu.memref_slice %arg3[%dma_wait3A_136, %dma_wait3A_137] : memref<10000x1024xf32, #tpu.memory_space<hbm>> -> memref<10000x1024xf32, #tpu.memory_space<hbm>>
      tpu.wait_indirect_dma semaphore(%arg13 : memref<!tpu.dma_semaphore, #tpu.memory_space<semaphore_mem>>) src(%dma_wait3A_138 : memref<10000x1024xf32, #tpu.memory_space<hbm>>) dst(%arg9 : memref<16x1024xf32, #tpu.memory_space<vmem>>)
      %mul3A_139 = arith.constant 16 : i32
      %mul3A_140 = arith.muli %add3A_132, %mul3A_139 : i32
      %add3A_141 = arith.addi %mul3A_2, %mul3A_140 : i32
      "tpu.region"() ({
        %run_scoped3A = tpu.sem_alloc : memref<!tpu.dma_semaphore, #tpu.memory_space<semaphore_mem>>
        %dma_start3A_150 = arith.constant 0 : i32
        %dma_start3A_151 = tpu.memref_slice %arg4[%add3A_141, %dma_start3A_150] : memref<32768x1024xf32, #tpu.memory_space<hbm>> -> memref<16x1024xf32, #tpu.memory_space<hbm>>
        %dma_start3A_152 = arith.constant 0 : i32
        %dma_start3A_153 = tpu.memref_slice %arg4[%add3A_141, %dma_start3A_152] : memref<32768x1024xf32, #tpu.memory_space<hbm>> -> memref<16x1024xf32, #tpu.memory_space<hbm>>
        tpu.enqueue_dma source(%arg9 : memref<16x1024xf32, #tpu.memory_space<vmem>>) target(%dma_start3A_153 : memref<16x1024xf32, #tpu.memory_space<hbm>>) target_semaphore(%run_scoped3A : memref<!tpu.dma_semaphore, #tpu.memory_space<semaphore_mem>>)
        %dma_wait3A_154 = arith.constant 0 : i32
        %dma_wait3A_155 = tpu.memref_slice %arg4[%add3A_141, %dma_wait3A_154] : memref<32768x1024xf32, #tpu.memory_space<hbm>> -> memref<16x1024xf32, #tpu.memory_space<hbm>>
        %dma_wait3A_156 = arith.constant 0 : i32
        %dma_wait3A_157 = tpu.memref_slice %arg4[%add3A_141, %dma_wait3A_156] : memref<32768x1024xf32, #tpu.memory_space<hbm>> -> memref<16x1024xf32, #tpu.memory_space<hbm>>
        tpu.wait_dma2 semaphore(%run_scoped3A : memref<!tpu.dma_semaphore, #tpu.memory_space<semaphore_mem>>) src(%arg9 : memref<16x1024xf32, #tpu.memory_space<vmem>>) dst(%dma_wait3A_157 : memref<16x1024xf32, #tpu.memory_space<hbm>>)
        tpu.yield
      }) : () -> ()
      %add3A_142 = arith.constant 4 : i32
      %add3A_143 = arith.addi %add3A_132, %add3A_142 : i32
      %dma_start3A_144 = arith.constant 0 : i32
      %dma_start3A_145 = tpu.memref_slice %arg5[%add3A_143, %dma_start3A_144] : memref<64x16xi32, #tpu.memory_space<vmem>> -> memref<1x16xi32, #tpu.memory_space<vmem>>
      %dma_start3A_146 = tpu.memref_squeeze %dma_start3A_145 : memref<1x16xi32, #tpu.memory_space<vmem>> -> memref<16xi32, #tpu.memory_space<vmem>>
      %dma_start3A_147 = arith.constant 0 : i32
      %dma_start3A_148 = arith.constant 0 : i32
      %dma_start3A_149 = tpu.memref_slice %arg3[%dma_start3A_147, %dma_start3A_148] : memref<10000x1024xf32, #tpu.memory_space<hbm>> -> memref<10000x1024xf32, #tpu.memory_space<hbm>>
      tpu.enqueue_indirect_dma source(%dma_start3A_149 : memref<10000x1024xf32, #tpu.memory_space<hbm>>) target(%arg9 : memref<16x1024xf32, #tpu.memory_space<vmem>>) offsets(%dma_start3A_146 : memref<16xi32, #tpu.memory_space<vmem>>) semaphore(%arg13 : memref<!tpu.dma_semaphore, #tpu.memory_space<semaphore_mem>>)
    }
    %scan3A_33 = arith.constant 15 : i32
    %dma_wait3A = arith.constant 60 : i32
    %dma_wait3A_34 = arith.constant 0 : i32
    %dma_wait3A_35 = tpu.memref_slice %arg5[%dma_wait3A, %dma_wait3A_34] : memref<64x16xi32, #tpu.memory_space<vmem>> -> memref<1x16xi32, #tpu.memory_space<vmem>>
    %dma_wait3A_36 = tpu.memref_squeeze %dma_wait3A_35 : memref<1x16xi32, #tpu.memory_space<vmem>> -> memref<16xi32, #tpu.memory_space<vmem>>
    %dma_wait3A_37 = arith.constant 0 : i32
    %dma_wait3A_38 = arith.constant 0 : i32
    %dma_wait3A_39 = tpu.memref_slice %arg3[%dma_wait3A_37, %dma_wait3A_38] : memref<10000x1024xf32, #tpu.memory_space<hbm>> -> memref<10000x1024xf32, #tpu.memory_space<hbm>>
    tpu.wait_indirect_dma semaphore(%arg10 : memref<!tpu.dma_semaphore, #tpu.memory_space<semaphore_mem>>) src(%dma_wait3A_39 : memref<10000x1024xf32, #tpu.memory_space<hbm>>) dst(%arg6 : memref<16x1024xf32, #tpu.memory_space<vmem>>)
    %add3A_40 = arith.constant 960 : i32
    %add3A_41 = arith.addi %mul3A_2, %add3A_40 : i32
    "tpu.region"() ({
      %run_scoped3A = tpu.sem_alloc : memref<!tpu.dma_semaphore, #tpu.memory_space<semaphore_mem>>
      %dma_start3A_69 = arith.constant 0 : i32
      %dma_start3A_70 = tpu.memref_slice %arg4[%add3A_41, %dma_start3A_69] : memref<32768x1024xf32, #tpu.memory_space<hbm>> -> memref<16x1024xf32, #tpu.memory_space<hbm>>
      %dma_start3A_71 = arith.constant 0 : i32
      %dma_start3A_72 = tpu.memref_slice %arg4[%add3A_41, %dma_start3A_71] : memref<32768x1024xf32, #tpu.memory_space<hbm>> -> memref<16x1024xf32, #tpu.memory_space<hbm>>
      tpu.enqueue_dma source(%arg6 : memref<16x1024xf32, #tpu.memory_space<vmem>>) target(%dma_start3A_72 : memref<16x1024xf32, #tpu.memory_space<hbm>>) target_semaphore(%run_scoped3A : memref<!tpu.dma_semaphore, #tpu.memory_space<semaphore_mem>>)
      %dma_wait3A_73 = arith.constant 0 : i32
      %dma_wait3A_74 = tpu.memref_slice %arg4[%add3A_41, %dma_wait3A_73] : memref<32768x1024xf32, #tpu.memory_space<hbm>> -> memref<16x1024xf32, #tpu.memory_space<hbm>>
      %dma_wait3A_75 = arith.constant 0 : i32
      %dma_wait3A_76 = tpu.memref_slice %arg4[%add3A_41, %dma_wait3A_75] : memref<32768x1024xf32, #tpu.memory_space<hbm>> -> memref<16x1024xf32, #tpu.memory_space<hbm>>
      tpu.wait_dma2 semaphore(%run_scoped3A : memref<!tpu.dma_semaphore, #tpu.memory_space<semaphore_mem>>) src(%arg6 : memref<16x1024xf32, #tpu.memory_space<vmem>>) dst(%dma_wait3A_76 : memref<16x1024xf32, #tpu.memory_space<hbm>>)
      tpu.yield
    }) : () -> ()
    %dma_wait3A_42 = arith.constant 61 : i32
    %dma_wait3A_43 = arith.constant 0 : i32
    %dma_wait3A_44 = tpu.memref_slice %arg5[%dma_wait3A_42, %dma_wait3A_43] : memref<64x16xi32, #tpu.memory_space<vmem>> -> memref<1x16xi32, #tpu.memory_space<vmem>>
    %dma_wait3A_45 = tpu.memref_squeeze %dma_wait3A_44 : memref<1x16xi32, #tpu.memory_space<vmem>> -> memref<16xi32, #tpu.memory_space<vmem>>
    %dma_wait3A_46 = arith.constant 0 : i32
    %dma_wait3A_47 = arith.constant 0 : i32
    %dma_wait3A_48 = tpu.memref_slice %arg3[%dma_wait3A_46, %dma_wait3A_47] : memref<10000x1024xf32, #tpu.memory_space<hbm>> -> memref<10000x1024xf32, #tpu.memory_space<hbm>>
    tpu.wait_indirect_dma semaphore(%arg11 : memref<!tpu.dma_semaphore, #tpu.memory_space<semaphore_mem>>) src(%dma_wait3A_48 : memref<10000x1024xf32, #tpu.memory_space<hbm>>) dst(%arg7 : memref<16x1024xf32, #tpu.memory_space<vmem>>)
    %add3A_49 = arith.constant 976 : i32
    %add3A_50 = arith.addi %mul3A_2, %add3A_49 : i32
    "tpu.region"() ({
      %run_scoped3A = tpu.sem_alloc : memref<!tpu.dma_semaphore, #tpu.memory_space<semaphore_mem>>
      %dma_start3A_69 = arith.constant 0 : i32
      %dma_start3A_70 = tpu.memref_slice %arg4[%add3A_50, %dma_start3A_69] : memref<32768x1024xf32, #tpu.memory_space<hbm>> -> memref<16x1024xf32, #tpu.memory_space<hbm>>
      %dma_start3A_71 = arith.constant 0 : i32
      %dma_start3A_72 = tpu.memref_slice %arg4[%add3A_50, %dma_start3A_71] : memref<32768x1024xf32, #tpu.memory_space<hbm>> -> memref<16x1024xf32, #tpu.memory_space<hbm>>
      tpu.enqueue_dma source(%arg7 : memref<16x1024xf32, #tpu.memory_space<vmem>>) target(%dma_start3A_72 : memref<16x1024xf32, #tpu.memory_space<hbm>>) target_semaphore(%run_scoped3A : memref<!tpu.dma_semaphore, #tpu.memory_space<semaphore_mem>>)
      %dma_wait3A_73 = arith.constant 0 : i32
      %dma_wait3A_74 = tpu.memref_slice %arg4[%add3A_50, %dma_wait3A_73] : memref<32768x1024xf32, #tpu.memory_space<hbm>> -> memref<16x1024xf32, #tpu.memory_space<hbm>>
      %dma_wait3A_75 = arith.constant 0 : i32
      %dma_wait3A_76 = tpu.memref_slice %arg4[%add3A_50, %dma_wait3A_75] : memref<32768x1024xf32, #tpu.memory_space<hbm>> -> memref<16x1024xf32, #tpu.memory_space<hbm>>
      tpu.wait_dma2 semaphore(%run_scoped3A : memref<!tpu.dma_semaphore, #tpu.memory_space<semaphore_mem>>) src(%arg7 : memref<16x1024xf32, #tpu.memory_space<vmem>>) dst(%dma_wait3A_76 : memref<16x1024xf32, #tpu.memory_space<hbm>>)
      tpu.yield
    }) : () -> ()
    %dma_wait3A_51 = arith.constant 62 : i32
    %dma_wait3A_52 = arith.constant 0 : i32
    %dma_wait3A_53 = tpu.memref_slice %arg5[%dma_wait3A_51, %dma_wait3A_52] : memref<64x16xi32, #tpu.memory_space<vmem>> -> memref<1x16xi32, #tpu.memory_space<vmem>>
    %dma_wait3A_54 = tpu.memref_squeeze %dma_wait3A_53 : memref<1x16xi32, #tpu.memory_space<vmem>> -> memref<16xi32, #tpu.memory_space<vmem>>
    %dma_wait3A_55 = arith.constant 0 : i32
    %dma_wait3A_56 = arith.constant 0 : i32
    %dma_wait3A_57 = tpu.memref_slice %arg3[%dma_wait3A_55, %dma_wait3A_56] : memref<10000x1024xf32, #tpu.memory_space<hbm>> -> memref<10000x1024xf32, #tpu.memory_space<hbm>>
    tpu.wait_indirect_dma semaphore(%arg12 : memref<!tpu.dma_semaphore, #tpu.memory_space<semaphore_mem>>) src(%dma_wait3A_57 : memref<10000x1024xf32, #tpu.memory_space<hbm>>) dst(%arg8 : memref<16x1024xf32, #tpu.memory_space<vmem>>)
    %add3A_58 = arith.constant 992 : i32
    %add3A_59 = arith.addi %mul3A_2, %add3A_58 : i32
    "tpu.region"() ({
      %run_scoped3A = tpu.sem_alloc : memref<!tpu.dma_semaphore, #tpu.memory_space<semaphore_mem>>
      %dma_start3A_69 = arith.constant 0 : i32
      %dma_start3A_70 = tpu.memref_slice %arg4[%add3A_59, %dma_start3A_69] : memref<32768x1024xf32, #tpu.memory_space<hbm>> -> memref<16x1024xf32, #tpu.memory_space<hbm>>
      %dma_start3A_71 = arith.constant 0 : i32
      %dma_start3A_72 = tpu.memref_slice %arg4[%add3A_59, %dma_start3A_71] : memref<32768x1024xf32, #tpu.memory_space<hbm>> -> memref<16x1024xf32, #tpu.memory_space<hbm>>
      tpu.enqueue_dma source(%arg8 : memref<16x1024xf32, #tpu.memory_space<vmem>>) target(%dma_start3A_72 : memref<16x1024xf32, #tpu.memory_space<hbm>>) target_semaphore(%run_scoped3A : memref<!tpu.dma_semaphore, #tpu.memory_space<semaphore_mem>>)
      %dma_wait3A_73 = arith.constant 0 : i32
      %dma_wait3A_74 = tpu.memref_slice %arg4[%add3A_59, %dma_wait3A_73] : memref<32768x1024xf32, #tpu.memory_space<hbm>> -> memref<16x1024xf32, #tpu.memory_space<hbm>>
      %dma_wait3A_75 = arith.constant 0 : i32
      %dma_wait3A_76 = tpu.memref_slice %arg4[%add3A_59, %dma_wait3A_75] : memref<32768x1024xf32, #tpu.memory_space<hbm>> -> memref<16x1024xf32, #tpu.memory_space<hbm>>
      tpu.wait_dma2 semaphore(%run_scoped3A : memref<!tpu.dma_semaphore, #tpu.memory_space<semaphore_mem>>) src(%arg8 : memref<16x1024xf32, #tpu.memory_space<vmem>>) dst(%dma_wait3A_76 : memref<16x1024xf32, #tpu.memory_space<hbm>>)
      tpu.yield
    }) : () -> ()
    %dma_wait3A_60 = arith.constant 63 : i32
    %dma_wait3A_61 = arith.constant 0 : i32
    %dma_wait3A_62 = tpu.memref_slice %arg5[%dma_wait3A_60, %dma_wait3A_61] : memref<64x16xi32, #tpu.memory_space<vmem>> -> memref<1x16xi32, #tpu.memory_space<vmem>>
    %dma_wait3A_63 = tpu.memref_squeeze %dma_wait3A_62 : memref<1x16xi32, #tpu.memory_space<vmem>> -> memref<16xi32, #tpu.memory_space<vmem>>
    %dma_wait3A_64 = arith.constant 0 : i32
    %dma_wait3A_65 = arith.constant 0 : i32
    %dma_wait3A_66 = tpu.memref_slice %arg3[%dma_wait3A_64, %dma_wait3A_65] : memref<10000x1024xf32, #tpu.memory_space<hbm>> -> memref<10000x1024xf32, #tpu.memory_space<hbm>>
    tpu.wait_indirect_dma semaphore(%arg13 : memref<!tpu.dma_semaphore, #tpu.memory_space<semaphore_mem>>) src(%dma_wait3A_66 : memref<10000x1024xf32, #tpu.memory_space<hbm>>) dst(%arg9 : memref<16x1024xf32, #tpu.memory_space<vmem>>)
    %add3A_67 = arith.constant 1008 : i32
    %add3A_68 = arith.addi %mul3A_2, %add3A_67 : i32
    "tpu.region"() ({
      %run_scoped3A = tpu.sem_alloc : memref<!tpu.dma_semaphore, #tpu.memory_space<semaphore_mem>>
      %dma_start3A_69 = arith.constant 0 : i32
      %dma_start3A_70 = tpu.memref_slice %arg4[%add3A_68, %dma_start3A_69] : memref<32768x1024xf32, #tpu.memory_space<hbm>> -> memref<16x1024xf32, #tpu.memory_space<hbm>>
      %dma_start3A_71 = arith.constant 0 : i32
      %dma_start3A_72 = tpu.memref_slice %arg4[%add3A_68, %dma_start3A_71] : memref<32768x1024xf32, #tpu.memory_space<hbm>> -> memref<16x1024xf32, #tpu.memory_space<hbm>>
      tpu.enqueue_dma source(%arg9 : memref<16x1024xf32, #tpu.memory_space<vmem>>) target(%dma_start3A_72 : memref<16x1024xf32, #tpu.memory_space<hbm>>) target_semaphore(%run_scoped3A : memref<!tpu.dma_semaphore, #tpu.memory_space<semaphore_mem>>)
      %dma_wait3A_73 = arith.constant 0 : i32
      %dma_wait3A_74 = tpu.memref_slice %arg4[%add3A_68, %dma_wait3A_73] : memref<32768x1024xf32, #tpu.memory_space<hbm>> -> memref<16x1024xf32, #tpu.memory_space<hbm>>
      %dma_wait3A_75 = arith.constant 0 : i32
      %dma_wait3A_76 = tpu.memref_slice %arg4[%add3A_68, %dma_wait3A_75] : memref<32768x1024xf32, #tpu.memory_space<hbm>> -> memref<16x1024xf32, #tpu.memory_space<hbm>>
      tpu.wait_dma2 semaphore(%run_scoped3A : memref<!tpu.dma_semaphore, #tpu.memory_space<semaphore_mem>>) src(%arg9 : memref<16x1024xf32, #tpu.memory_space<vmem>>) dst(%dma_wait3A_76 : memref<16x1024xf32, #tpu.memory_space<hbm>>)
      tpu.yield
    }) : () -> ()
    return
  }
}

</mosaic_0001>

<sc_bundles>
// kernel: _gather_rows.3.cloned.1.call-start
scs
__scs_entry_jumppad:
0x0: {  	(pc) =	sbr.rel $0x88, $3  }
0x1: {  	(tag) =	ssettag $0x0;
	lr =	simm.s32 $0x1  }
0x2: {  	[smem:$0x3F9F] =	sst lr;
	_ =	strace $0xD0000000  }
0x3: {  	_ = 	snop  }
0x4: {  	_ = 	snop  }
0x5: {  	_ = 	snop  }
0x6: {  	_ = 	snop  }
0x7: {  	_ = 	snop  }
__scs_overlays_trampoline_lowered:
0x8: {  	[smem:$0x3FAE] =	sst s0  }
0x9: {  	[smem:$0x3FAF] =	sst s1  }
0xa: {  	[smem:$0x3FB0] =	sst s2  }
0xb: {  	[smem:$0x3FB1] =	sst s3  }
0xc: {  	[smem:$0x3FB2] =	sst s4  }
0xd: {  	[smem:$0x3FB3] =	sst s5  }
0xe: {  	[smem:$0x3FB4] =	sst s6  }
0xf: {  	[smem:$0x3FB5] =	sst s7  }
0x10: {  	[smem:$0x3FB6] =	sst s8  }
0x11: {  	[smem:$0x3FB7] =	sst s9;
	s0 =	simm.s32 @!p0 $0x0  }
0x12: {  	s1 =	sld [smem:$0x3F9D];
	s0 =	simm.s32 @p0 $0x1  }
0x13: {  	[smem:$0x3FB8] =	sst s0;
	s0 =	simm.s32 @!p1 $0x0  }
0x14: {  	s2 =	sld [smem:$0x3F9C];
	s0 =	simm.s32 @p1 $0x1  }
0x15: {  	[smem:$0x3FB9] =	sst s0;
	s0 =	simm.s32 @!p2 $0x0  }
0x16: {  	s3 =	sld [smem:$0x3FDB];
	s0 =	simm.s32 @p2 $0x1  }
0x17: {  	s4 =	simm.s32 $0x1BF5;
	[smem:$0x3FBB] =	sst s0  }
0x18: {  	s0 =	sld [smem:$0x3F9E];
	_ =	swait.ge [sflag:s4], $0x0  }
0x19: {  	s7 =	sld [smem:$0x3F9F]  }
0x1a: {  	s8 =	sadd.s32 $0xFFFFE003, lr  }
0x1b: {  	s9 =	sadd.s32 $0xFFFFFEF7, lr;
	s5 =	simm.s32 $0xFFFFFFFF;
	p2 =	slt.u32 s8, $0xFFFFF086  }
0x1c: {  	p1 =	slt.u32 s9, $0xF7A;
	s5 =	simm.s32 @!p2 $0x0  }
0x1d: {  	s5 =	simm.s32 @p1 $0x1;
	p0 =	seq.s32 s7, s2  }
0x1e: {  	s7 =	smul.u32 @!p0 $0xF7A, s2;
	p2 =	seq.s32 @!p0 s5, $0x0  }
0x1f: {  	s9 =	smul.u32 $0xF7A, s1;
	s8 =	simm.s32 @!p0 $0x1BF5;
	p2 =	por !p2, p0  }
0x20: {  	[sflag:s8] =	ssyncset.s32 @!p0 $0xFFFFF086;
	s6 =	sadd.s32 @!p0 s3, s7;
	s7 =	simm.s32 @!p0 $0x108  }
0x21: {  	s3 =	sadd.s32 s3, s9;
	s6 =	sadd.s32 @!p0 $0x88, s6;
	s7 =	simm.s32 @p2 $0x1082  }
0x22: {  	[simem:s7], [sflag:s8] =	dma.local @!p0 [hbm:s6], $0xF7A  }
0x23: {  	s9 =	sor.u32 $0xD0000000, s2;
	s6 =	simm.s32 $0x108;
	_ =	swait.ge @!p0 [sflag:s8], $0x0  }
0x24: {  	s3 =	sadd.s32 $0x88, s3;
	s6 =	simm.s32 @!p1 $0x1082;
	[sflag:s4] =	ssyncset.s32 $0xFFFFF086  }
0x25: {  	[simem:s6], [sflag:s4] =	dma.local [hbm:s3], $0xF7A  }
0x26: {  	[smem:$0x3F9F] =	sst s1;
	(tag) =	ssettag s2;
	_ =	strace s9  }
0x27: {  	s1 =	sld [smem:$0x3FAF]  }
0x28: {  	s2 =	sld [smem:$0x3FB0]  }
0x29: {  	s4 =	sld [smem:$0x3FB2]  }
0x2a: {  	p0 =	seq.s32 s5, $0x0;
	s5 =	sld [smem:$0x3FB3]  }
0x2b: {  	s6 =	sld [smem:$0x3FB4]  }
0x2c: {  	s7 =	sld [smem:$0x3FB5]  }
0x2d: {  	s3 =	simm.s32 $0x108;
	s8 =	sld [smem:$0x3FB6]  }
0x2e: {  	s3 =	simm.s32 @!p0 $0x1082;
	s9 =	sld [smem:$0x3FB7]  }
0x2f: {  	lr =	sadd.s32 s0, s3;
	s0 =	sld [smem:$0x3FAE]  }
0x30: {  	s3 =	sld [smem:$0x3FB1]  }
0x31: {  	[smem:$0x3FBA] =	sst s10  }
0x32: {  	s10 =	sld [smem:$0x3FB8];
	_ =	sdelay $0x3  }
0x33: {  	p0 =	seq.s32 s10, $0x1;
	s10 =	sld [smem:$0x3FBA];
	_ =	sdelay $0x3  }
0x34: {  	[smem:$0x3FBA] =	sst s10  }
0x35: {  	s10 =	sld [smem:$0x3FB9];
	_ =	sdelay $0x3  }
0x36: {  	p1 =	seq.s32 s10, $0x1;
	s10 =	sld [smem:$0x3FBA];
	_ =	sdelay $0x3  }
0x37: {  	[smem:$0x3FBA] =	sst s10  }
0x38: {  	s10 =	sld [smem:$0x3FBB]  }
0x39: {  	_ = 	snop;
	(pc) =	sbr.ind lr, $3  }
0x3a: {  	_ = 	snop  }
0x3b: {  	_ = 	snop  }
0x3c: {  	p2 =	seq.s32 s10, $0x1;
	s10 =	sld [smem:$0x3FBA]  }
0x3d: {  	_ =	shalt  }
0x3e: {  	_ =	shalt  }
0x3f: {  	_ =	shalt  }
0x40: {  	_ =	shalt  }
0x41: {  	_ =	shalt  }
0x42: {  	_ =	shalt  }
0x43: {  	_ =	shalt  }
0x44: {  	_ =	shalt  }
0x45: {  	_ =	shalt  }
0x46: {  	_ =	shalt  }
0x47: {  	_ =	shalt  }
0x48: {  	_ =	shalt  }
0x49: {  	_ =	shalt  }
0x4a: {  	_ =	shalt  }
0x4b: {  	_ =	shalt  }
0x4c: {  	_ =	shalt  }
0x4d: {  	_ =	shalt  }
0x4e: {  	_ =	shalt  }
0x4f: {  	_ =	shalt  }
0x50: {  	_ =	shalt  }
0x51: {  	_ =	shalt  }
0x52: {  	_ =	shalt  }
0x53: {  	_ =	shalt  }
0x54: {  	_ =	shalt  }
0x55: {  	_ =	shalt  }
0x56: {  	_ =	shalt  }
0x57: {  	_ =	shalt  }
0x58: {  	_ =	shalt  }
0x59: {  	_ =	shalt  }
0x5a: {  	_ =	shalt  }
0x5b: {  	_ =	shalt  }
0x5c: {  	_ =	shalt  }
0x5d: {  	_ =	shalt  }
0x5e: {  	_ =	shalt  }
0x5f: {  	_ =	shalt  }
0x60: {  	_ =	shalt  }
0x61: {  	_ =	shalt  }
0x62: {  	_ =	shalt  }
0x63: {  	_ =	shalt  }
0x64: {  	_ =	shalt  }
0x65: {  	_ =	shalt  }
0x66: {  	_ =	shalt  }
0x67: {  	_ =	shalt  }
0x68: {  	_ =	shalt  }
0x69: {  	_ =	shalt  }
0x6a: {  	_ =	shalt  }
0x6b: {  	_ =	shalt  }
0x6c: {  	_ =	shalt  }
0x6d: {  	_ =	shalt  }
0x6e: {  	_ =	shalt  }
0x6f: {  	_ =	shalt  }
0x70: {  	_ =	shalt  }
0x71: {  	_ =	shalt  }
0x72: {  	_ =	shalt  }
0x73: {  	_ =	shalt  }
0x74: {  	_ =	shalt  }
0x75: {  	_ =	shalt  }
0x76: {  	_ =	shalt  }
0x77: {  	_ =	shalt  }
0x78: {  	_ =	shalt  }
0x79: {  	_ =	shalt  }
0x7a: {  	_ =	shalt  }
0x7b: {  	_ =	shalt  }
0x7c: {  	_ =	shalt  }
0x7d: {  	_ =	shalt  }
0x7e: {  	_ =	shalt  }
0x7f: {  	_ =	shalt  }
0x80: {  	_ =	shalt  }
0x81: {  	_ =	shalt  }
0x82: {  	_ =	shalt  }
0x83: {  	_ =	shalt  }
0x84: {  	_ =	shalt  }
0x85: {  	_ =	shalt  }
0x86: {  	_ =	shalt  }
0x87: {  	_ =	shalt  }
.Lfunc_end0:
.L_simem_size_0:
called_computation_lowered:
.L_overlay_start_0:
0x88: {  	s2 =	sld [smem:$0x3FD9]  }
0x89: {  	s3 =	sld [smem:$0x3FFE];
	_ =	sdelay $0x1  }
0x8a: {  	s1 =	srdreg.scid  }
0x8b: {  	s0 =	sand.u32 $0x1, s1  }
0x8c: {  	s17 =	sshll.u32 s0, $0xA;
	s2 =	sadd.s32 s3, s2  }
0x8d: {  	s2 =	sadd.s32 s2, s17  }
0x8e: {  	[smem:$0x3FC6] =	sst s2  }
0x8f: {  	_ = 	snop  }
0x90: {  	s2 =	sld [smem:$0x3FC8]  }
0x91: {  	s18 =	sld [smem:$0x3FD0];
	(tm) =	ssettm $0x1  }
0x92: {  	s4 =	sld [smem:$0x3FFB];
	_ =	sdelay $0x3  }
0x93: {  	_ =	strace s4  }
0x94: {  	s4 =	sld [smem:$0x3FFC];
	_ =	sdelay $0x3  }
0x95: {  	_ =	strace s4  }
0x96: {  	s4 =	sld [smem:$0x3FFD];
	_ =	sdelay $0x3  }
0x97: {  	_ =	strace s4  }
0x98: {  	_ =	strace $0x8FFFFFFF  }
0x99: {  	s19 =	sld [smem:$0x3FDB];
	_ =	sdelay $0x1  }
0x9a: {  	s5 =	simm.s32 $_scs_section_size  }
0x9b: {  	s6 =	simm.s32 $_size__tile_overlayer_lowered;
	s7 =	simm.s32 $_tile_overlayer_lowered  }
0x9c: {  	s22 =	simm.s32 $0x1BFF;
	s21 =	sshll.u32 s7, $0x1;
	s4 =	sadd.s32 s5, s19  }
0x9d: {  	s8 =	simm.s32 $0x0;
	s20 =	sshll.u32 s6, $0x1;
	s6 =	sadd.s32 s21, s4  }
0x9e: {  	[timem:s8], [sflag:s22] =	dma.local [hbm:s6], s20  }
0x9f: {  	_ =	swait.ge [sflag:s22], s20  }
0xa0: {  	s5 =	ssub.s32 $0x0, s20;
	[sflag:s22] =	ssyncset.done $0x0  }
0xa1: {  	[sflag:s22] =	ssyncadd.s32 s5;
	_ =	sdelay $0x1  }
0xa2: {  	s23 =	simm.s32 $0x1B8B  }
0xa3: {  	_ =	swait.ge [sflag:s23], $0x1  }
0xa4: {  	[sflag:s23] =	ssyncset.done $0x0  }
0xa5: {  	s25 =	simm.s32 $0x1B8E;
	s24 =	sld [smem:$0x3FFE];
	[sflag:s23] =	ssyncadd.s32 $0xFFFFFFFF  }
0xa6: {  	s26 =	simm.s32 $execute0_lowered;
	[smem:$0x3FD2] =	sst s25  }
0xa7: {  	s6 =	sshll.u32 s26, $0x1;
	_ =	strace $0x80000046;
	[dreg:$0x1] =	wrdreg $0xFFFFFFFF  }
0xa8: {  	s28 =	simm.s32 $_size_execute0_lowered;
	s4 =	sadd.s32 s4, s6;
	[dreg:$0x0] =	wrdreg $0x0  }
0xa9: {  	s6 =	sshll.u32 s28, $0x1;
	[dreg:$0x2] =	wrdreg s4  }
0xaa: {  	[dreg:$0x3] =	wrdreg s6  }
0xab: {  	[dreg:$0x4] =	wrdreg $0xC0  }
0xac: {  	_ =	task [dreg:s8], $0x5FFFF  }
0xad: {  	[dreg:$0x1] =	wrdreg $0xFFFFFFFF  }
0xae: {  	[dreg:$0x0] =	wrdreg $0x60  }
0xaf: {  	[dreg:$0x2] =	wrdreg s24  }
0xb0: {  	[dreg:$0x3] =	wrdreg s2  }
0xb1: {  	[dreg:$0x4] =	wrdreg s18  }
0xb2: {  	[dreg:$0x5] =	wrdreg $0x9  }
0xb3: {  	_ =	task.clear_ibuf [dreg:s8], $0x6FFFF;
	_ =	strace $0x90000046  }
0xb4: {  	s29 =	simm.s32 $0x9;
	_ =	strace $0x80000048  }
0xb5: {  	_ =	swait.ge [sflag:s29], $0x1  }
0xb6: {  	[sflag:s29] =	ssyncadd.s32 $0xFFFFFFFF  }
0xb7: {  	_ =	strace $0x90000048  }
0xb8: {  	_ =	sfence  }
0xb9: {  	s30 =	sld [smem:$0x0];
	_ =	sdelay $0x2  }
0xba: {  	s31 =	sshll.u32 s1, $0xD;
	s1 =	sshrl.u32 s1, $0x2  }
0xbb: {  	s3 =	sand.u32 $0x4000, s31;
	s1 =	sadd.s32 s1, s30  }
0xbc: {  	s0 =	sor.u32 s3, s0;
	s1 =	sshll.u32 s1, $0x11  }
0xbd: {  	s0 =	sor.u32 s1, s0  }
0xbe: {  	s0 =	sadd.s32 $0x8F2B, s0  }
0xbf: {  	[sflag:s0] =	ssyncadd.remote.s32 $0x1  }
0xc0: {  	_ =	sfence.sel $0xFFFF  }
0xc1: {  	[dreg:$0x0] =	wrdreg $0xFFFFFFFF;
	(pc) =	sbr.abs _section_cstart, $3  }
0xc2: {  	[dreg:$0x1] =	wrdreg $0xFFFFFFFF  }
0xc3: {  	_ =	task.clear_ibuf [dreg:s8], $0x2FFFF;
	_ =	strace $0x9FFFFFFF  }
0xc4: {  	(tm) =	ssettm $0x7FFFFFFF  }
0xc5: {  	_ =	shalt  }
tec
execute0_lowered:
.L_overlay_start_1:
0x0: {  	(tag) =	ssettag $0x1  }
0x1: {  	s0 =	rddreg [dreg:$0x0]  }
0x2: {  	s2 =	rddreg [dreg:$0x1]  }
0x3: {  	s1 =	rddreg [dreg:$0x2]  }
0x4: {  	s3 =	srdreg.scid;
	s9 =	stileid.u32  }
0x5: {  	s13 =	simm.s32 $0x5;
	s28 =	simm.s32 $0x2800;
	s31 =	simm.s32 $0x3000  }
0x6: {  	s11 =	simm.s32 $0x5000;
	s15 =	simm.s32 $0x5800;
	s16 =	simm.s32 $0x6800  }
0x7: {  	s17 =	simm.s32 $0x7000;
	s18 =	simm.s32 $0x7800;
	s19 =	simm.s32 $0x8000  }
0x8: {  	s20 =	simm.s32 $0x8800;
	s14 =	simm.s32 $0x9800;
	s29 =	simm.s32 $0xA800  }
0x9: {  	s30 =	simm.s32 $0xB000;
	s12 =	simm.s32 $0xE000;
	s4 =	sand.u32 $0x1, s3  }
0xa: {  	s5 =	sshll.u32 s9, $0x1;
	s3 =	simm.s32 $0x0;
	s9 =	sshll.u32 s9, $0x12  }
0xb: {  	s6 =	sor.u32 s4, s5;
	s21 =	ssub.s32 $0x2, s4;
	[smem:$0x7FF] =	sst s3  }
0xc: {  	s5 =	sadd.s32 $0x100, s2;
	s4 =	sshll.u32 s4, $0x11;
	s7 =	sshll.u32 s6, $0xA  }
0xd: {  	s8 =	sshrl.u32 s21, $0x1;
	_ =	strace $0x80000047;
	s22 =	sshll.u32 s6, $0x11  }
0xe: {  	s6 =	sadd.s32 $0x200, s2;
	s0 =	sadd.s32 s7, s0;
	s8 =	ssub.s32 s21, s8  }
0xf: {  	s7 =	sadd.s32 $0x300, s2;
	s21 =	simm.s32 $0x9000;
	s0 =	sadd.s32 $0x400, s0  }
0x10: {  	s25 =	smax.u32 s8, $0x1;
	[dreg:$0x5] =	wrdreg s0;
	s0 =	sadd.s32 s22, s1  }
0x11: {  	s8 =	simm.s32 $0x3800;
	[dreg:$0xa] =	wrdreg s25;
	s10 =	sadd.s32 $0x1E000, s0  }
0x12: {  	s1 =	sadd.s32 s9, s1;
	s23 =	sadd.s32 $0x1E800, s0;
	[dreg:$0x6] =	wrdreg s10  }
0x13: {  	s22 =	simm.s32 $0x2000;
	s24 =	sadd.s32 $0x1F000, s0;
	[dreg:$0x7] =	wrdreg s23  }
0x14: {  	s9 =	simm.s32 $0x4000;
	s0 =	sadd.s32 $0x1F800, s0;
	[dreg:$0x8] =	wrdreg s24  }
0x15: {  	s25 =	simm.s32 $0x3;
	s26 =	sadd.s32 s4, s1;
	[dreg:$0x9] =	wrdreg s0  }
0x16: {  	v2 =	vlaneseq.u32;
	s1 =	simm.s32 $0x6000;
	s4 =	simm.s32 $0xA000;
	[dreg:$0x4] =	wrdreg s26  }
0x17: {  	vm0 =	vmmov $0xffff;
	v1 =	vshrl.u32 v2, $0x3;
	s10 =	simm.s32 $0x4800;
	s23 =	simm.s32 $0x1;
	s0 =	simm.s32 $0x0  }
0x18: {  	v0 =	vand.u32 $0x7, v2;
	v2 =	vor.u32 $0x8, v2;
	v1 =	vmul.u32 $0x8, v1;
	s24 =	simm.s32 $0x2;
	s26 =	simm.s32 $0x4;
	[dreg:$0xb] =	wrdreg s0  }
.LBB2_1:
0x19: {  	s0 =	rddreg [dreg:$0x5]  }
0x1a: {  	[tilespmem:s3], [sflag:$0x5] =	stream.linear.gather [hbm4b:s0+s3], $0x2000, $0x38;
	[tilespmem:$0x12000] =	vst v63  }
0x1b: {  	_ =	swait.ge [sflag:s13], $0x2000  }
0x1c: {  	[sflag:s13] =	ssyncset.done $0x0  }
0x1d: {  	[sflag:s13] =	ssyncadd.s32 $0xFFFFE000  }
0x1e: {  	v3 =	vld [tilespmem:$0x0];
	_ =	sdelay $0x4  }
0x1f: {  	v4 =	vshll.u32 v3, $0x3  }
0x20: {  	v3 =	vand.u32 $0x7, v3;
	v4 =	vand.u32 $0xFFFFFFC0, v4  }
0x21: {  	v3 =	vor.u32 v3, v4  }
0x22: {  	v4 =	vperm.xlane v3, v0;
	_ =	sdelay $0x1  }
0x23: {  	v4 =	vadd.s32 v1, v4;
	_ =	sdelay $0x4  }
0x24: {  	[tilespmem:s22], [sflag:$0x1] =	stream.indirect_vreg.gather [hbm4b:s2+s3], $0x80, v4, vm0, $0xb8;
	[tilespmem:$0x12000] =	vst v63  }
0x25: {  	v3 =	vperm.xlane v3, v2  }
0x26: {  	[tilespmem:s28], [sflag:$0x1] =	stream.indirect_vreg.gather [hbm4b:s5+s3], $0x80, v4, vm0, $0xb8;
	[tilespmem:$0x12000] =	vst v63  }
0x27: {  	v3 =	vadd.s32 v1, v3  }
0x28: {  	[tilespmem:s31], [sflag:$0x1] =	stream.indirect_vreg.gather [hbm4b:s6+s3], $0x80, v4, vm0, $0xb8;
	[tilespmem:$0x12000] =	vst v63  }
0x29: {  	_ = 	snop  }
0x2a: {  	[tilespmem:s8], [sflag:$0x1] =	stream.indirect_vreg.gather [hbm4b:s7+s3], $0x80, v4, vm0, $0xb8;
	[tilespmem:$0x12000] =	vst v63  }
0x2b: {  	_ = 	snop  }
0x2c: {  	[tilespmem:s9], [sflag:$0x1] =	stream.indirect_vreg.gather [hbm4b:s2+s3], $0x80, v3, vm0, $0xb8;
	[tilespmem:$0x12000] =	vst v63  }
0x2d: {  	_ = 	snop  }
0x2e: {  	[tilespmem:s10], [sflag:$0x1] =	stream.indirect_vreg.gather [hbm4b:s5+s3], $0x80, v3, vm0, $0xb8;
	[tilespmem:$0x12000] =	vst v63  }
0x2f: {  	_ = 	snop  }
0x30: {  	[tilespmem:s11], [sflag:$0x1] =	stream.indirect_vreg.gather [hbm4b:s6+s3], $0x80, v3, vm0, $0xb8;
	[tilespmem:$0x12000] =	vst v63  }
0x31: {  	_ = 	snop  }
0x32: {  	[tilespmem:s15], [sflag:$0x1] =	stream.indirect_vreg.gather [hbm4b:s7+s3], $0x80, v3, vm0, $0xb8;
	[tilespmem:$0x12000] =	vst v63  }
0x33: {  	v3 =	vld [tilespmem:$0x80];
	_ =	sdelay $0x4  }
0x34: {  	v61 =	vshll.u32 v3, $0x3  }
0x35: {  	v3 =	vand.u32 $0x7, v3;
	v4 =	vand.u32 $0xFFFFFFC0, v61  }
0x36: {  	v3 =	vor.u32 v3, v4  }
0x37: {  	v4 =	vperm.xlane v3, v0;
	_ =	sdelay $0x1  }
0x38: {  	v4 =	vadd.s32 v1, v4;
	_ =	sdelay $0x4  }
0x39: {  	[tilespmem:s1], [sflag:$0x2] =	stream.indirect_vreg.gather [hbm4b:s2+s3], $0x80, v4, vm0, $0xb8;
	[tilespmem:$0x12000] =	vst v63  }
0x3a: {  	v3 =	vperm.xlane v3, v2  }
0x3b: {  	[tilespmem:s16], [sflag:$0x2] =	stream.indirect_vreg.gather [hbm4b:s5+s3], $0x80, v4, vm0, $0xb8;
	[tilespmem:$0x12000] =	vst v63  }
0x3c: {  	v3 =	vadd.s32 v1, v3  }
0x3d: {  	[tilespmem:s17], [sflag:$0x2] =	stream.indirect_vreg.gather [hbm4b:s6+s3], $0x80, v4, vm0, $0xb8;
	[tilespmem:$0x12000] =	vst v63  }
0x3e: {  	_ = 	snop  }
0x3f: {  	[tilespmem:s18], [sflag:$0x2] =	stream.indirect_vreg.gather [hbm4b:s7+s3], $0x80, v4, vm0, $0xb8;
	[tilespmem:$0x12000] =	vst v63  }
0x40: {  	_ = 	snop  }
0x41: {  	[tilespmem:s19], [sflag:$0x2] =	stream.indirect_vreg.gather [hbm4b:s2+s3], $0x80, v3, vm0, $0xb8;
	[tilespmem:$0x12000] =	vst v63  }
0x42: {  	_ = 	snop  }
0x43: {  	[tilespmem:s20], [sflag:$0x2] =	stream.indirect_vreg.gather [hbm4b:s5+s3], $0x80, v3, vm0, $0xb8;
	[tilespmem:$0x12000] =	vst v63  }
0x44: {  	_ = 	snop  }
0x45: {  	[tilespmem:s21], [sflag:$0x2] =	stream.indirect_vreg.gather [hbm4b:s6+s3], $0x80, v3, vm0, $0xb8;
	[tilespmem:$0x12000] =	vst v63  }
0x46: {  	_ = 	snop  }
0x47: {  	[tilespmem:s14], [sflag:$0x2] =	stream.indirect_vreg.gather [hbm4b:s7+s3], $0x80, v3, vm0, $0xb8;
	[tilespmem:$0x12000] =	vst v63  }
0x48: {  	v3 =	vld [tilespmem:$0x100];
	_ =	sdelay $0x4  }
0x49: {  	v62 =	vshll.u32 v3, $0x3  }
0x4a: {  	v3 =	vand.u32 $0x7, v3;
	v4 =	vand.u32 $0xFFFFFFC0, v62  }
0x4b: {  	v3 =	vor.u32 v3, v4  }
0x4c: {  	v4 =	vperm.xlane v3, v0;
	_ =	sdelay $0x1  }
0x4d: {  	v4 =	vadd.s32 v1, v4;
	_ =	sdelay $0x4  }
0x4e: {  	[tilespmem:s4], [sflag:$0x3] =	stream.indirect_vreg.gather [hbm4b:s2+s3], $0x80, v4, vm0, $0xb8;
	[tilespmem:$0x12000] =	vst v63  }
0x4f: {  	v3 =	vperm.xlane v3, v2  }
0x50: {  	[tilespmem:s29], [sflag:$0x3] =	stream.indirect_vreg.gather [hbm4b:s5+s3], $0x80, v4, vm0, $0xb8;
	[tilespmem:$0x12000] =	vst v63  }
0x51: {  	v3 =	vadd.s32 v1, v3  }
0x52: {  	[tilespmem:s30], [sflag:$0x3] =	stream.indirect_vreg.gather [hbm4b:s6+s3], $0x80, v4, vm0, $0xb8;
	[tilespmem:$0x12000] =	vst v63  }
0x53: {  	s15 =	simm.s32 $0xB800  }
0x54: {  	[tilespmem:s15], [sflag:$0x3] =	stream.indirect_vreg.gather [hbm4b:s7+s3], $0x80, v4, vm0, $0xb8;
	[tilespmem:$0x12000] =	vst v63  }
0x55: {  	s16 =	simm.s32 $0xC000  }
0x56: {  	[tilespmem:s16], [sflag:$0x3] =	stream.indirect_vreg.gather [hbm4b:s2+s3], $0x80, v3, vm0, $0xb8;
	[tilespmem:$0x12000] =	vst v63  }
0x57: {  	s17 =	simm.s32 $0xC800  }
0x58: {  	[tilespmem:s17], [sflag:$0x3] =	stream.indirect_vreg.gather [hbm4b:s5+s3], $0x80, v3, vm0, $0xb8;
	[tilespmem:$0x12000] =	vst v63  }
0x59: {  	s18 =	simm.s32 $0xD000  }
0x5a: {  	[tilespmem:s18], [sflag:$0x3] =	stream.indirect_vreg.gather [hbm4b:s6+s3], $0x80, v3, vm0, $0xb8;
	[tilespmem:$0x12000] =	vst v63  }
0x5b: {  	s19 =	simm.s32 $0xD800  }
0x5c: {  	[tilespmem:s19], [sflag:$0x3] =	stream.indirect_vreg.gather [hbm4b:s7+s3], $0x80, v3, vm0, $0xb8;
	[tilespmem:$0x12000] =	vst v63  }
0x5d: {  	v3 =	vld [tilespmem:$0x180];
	_ =	sdelay $0x4  }
0x5e: {  	v63 =	vshll.u32 v3, $0x3  }
0x5f: {  	v3 =	vand.u32 $0x7, v3;
	v4 =	vand.u32 $0xFFFFFFC0, v63  }
0x60: {  	v3 =	vor.u32 v3, v4  }
0x61: {  	v4 =	vperm.xlane v3, v0;
	_ =	sdelay $0x1  }
0x62: {  	v4 =	vadd.s32 v1, v4;
	_ =	sdelay $0x4  }
0x63: {  	[tilespmem:s12], [sflag:$0x4] =	stream.indirect_vreg.gather [hbm4b:s2+s3], $0x80, v4, vm0, $0xb8;
	[tilespmem:$0x12000] =	vst v63  }
0x64: {  	s20 =	simm.s32 $0xE800;
	v3 =	vperm.xlane v3, v2  }
0x65: {  	[tilespmem:s20], [sflag:$0x4] =	stream.indirect_vreg.gather [hbm4b:s5+s3], $0x80, v4, vm0, $0xb8;
	[tilespmem:$0x12000] =	vst v63  }
0x66: {  	s22 =	simm.s32 $0xF800;
	s28 =	simm.s32 $0x380;
	s21 =	simm.s32 $0xF000;
	v3 =	vadd.s32 v1, v3  }
0x67: {  	[tilespmem:s21], [sflag:$0x4] =	stream.indirect_vreg.gather [hbm4b:s6+s3], $0x80, v4, vm0, $0xb8;
	[tilespmem:$0x12000] =	vst v63  }
0x68: {  	s31 =	simm.s32 $0x10800;
	s8 =	simm.s32 $0xA800;
	s9 =	simm.s32 $0xB000  }
0x69: {  	[tilespmem:s22], [sflag:$0x4] =	stream.indirect_vreg.gather [hbm4b:s7+s3], $0x80, v4, vm0, $0xb8;
	[tilespmem:$0x12000] =	vst v63  }
0x6a: {  	s10 =	simm.s32 $0x11000;
	s11 =	simm.s32 $0x11800;
	s30 =	simm.s32 $0x10000  }
0x6b: {  	[tilespmem:s30], [sflag:$0x4] =	stream.indirect_vreg.gather [hbm4b:s2+s3], $0x80, v3, vm0, $0xb8;
	[tilespmem:$0x12000] =	vst v63  }
0x6c: {  	s14 =	simm.s32 $0x9800;
	s29 =	simm.s32 $0x0;
	s15 =	simm.s32 $0x5800  }
0x6d: {  	[tilespmem:s31], [sflag:$0x4] =	stream.indirect_vreg.gather [hbm4b:s5+s3], $0x80, v3, vm0, $0xb8;
	[tilespmem:$0x12000] =	vst v63  }
0x6e: {  	s16 =	simm.s32 $0x6800;
	s17 =	simm.s32 $0x7000;
	s18 =	simm.s32 $0x7800  }
0x6f: {  	[tilespmem:s10], [sflag:$0x4] =	stream.indirect_vreg.gather [hbm4b:s6+s3], $0x80, v3, vm0, $0xb8;
	[tilespmem:$0x12000] =	vst v63  }
0x70: {  	s19 =	simm.s32 $0x8000;
	s20 =	simm.s32 $0x8800;
	s21 =	simm.s32 $0x9000  }
0x71: {  	[tilespmem:s11], [sflag:$0x4] =	stream.indirect_vreg.gather [hbm4b:s7+s3], $0x80, v3, vm0, $0xb8;
	[tilespmem:$0x12000] =	vst v63  }
.LBB2_2:
0x72: {  	_ =	swait.ge [sflag:s23], $0x4000  }
0x73: {  	s30 =	rddreg [dreg:$0x4];
	[sflag:s23] =	ssyncset.done $0x0  }
0x74: {  	s0 =	simm.s32 $0x2000;
	[sflag:s23] =	ssyncadd.s32 $0xFFFFC000;
	s30 =	sadd.s32 s29, s30  }
0x75: {  	[hbm4b:s30+s3] =	stream.linear.scatter [tilespmem:s0], [sflag:$0x5], $0x4000, $0x38;
	[tilespmem:$0x12000] =	vst v63  }
0x76: {  	_ =	swait.ge [sflag:s13], $0x4000  }
0x77: {  	[sflag:s13] =	ssyncset.done $0x0  }
0x78: {  	[sflag:s13] =	ssyncadd.s32 $0xFFFFC000  }
0x79: {  	v3 =	vld [tilespmem:s28+$0xFFFFFE80];
	_ =	sdelay $0x4  }
0x7a: {  	v4 =	vshll.u32 v3, $0x3  }
0x7b: {  	v3 =	vand.u32 $0x7, v3;
	v4 =	vand.u32 $0xFFFFFFC0, v4  }
0x7c: {  	v3 =	vor.u32 v3, v4  }
0x7d: {  	v4 =	vperm.xlane v3, v0;
	_ =	sdelay $0x1  }
0x7e: {  	v4 =	vadd.s32 v1, v4;
	_ =	sdelay $0x4  }
0x7f: {  	[tilespmem:s0], [sflag:$0x1] =	stream.indirect_vreg.gather [hbm4b:s2+s3], $0x80, v4, vm0, $0xb8;
	[tilespmem:$0x12000] =	vst v63  }
0x80: {  	s1 =	simm.s32 $0x2800;
	v3 =	vperm.xlane v3, v2  }
0x81: {  	[tilespmem:s1], [sflag:$0x1] =	stream.indirect_vreg.gather [hbm4b:s5+s3], $0x80, v4, vm0, $0xb8;
	[tilespmem:$0x12000] =	vst v63  }
0x82: {  	s4 =	simm.s32 $0x3000;
	v3 =	vadd.s32 v1, v3  }
0x83: {  	[tilespmem:s4], [sflag:$0x1] =	stream.indirect_vreg.gather [hbm4b:s6+s3], $0x80, v4, vm0, $0xb8;
	[tilespmem:$0x12000] =	vst v63  }
0x84: {  	s31 =	simm.s32 $0x3800  }
0x85: {  	[tilespmem:s31], [sflag:$0x1] =	stream.indirect_vreg.gather [hbm4b:s7+s3], $0x80, v4, vm0, $0xb8;
	[tilespmem:$0x12000] =	vst v63  }
0x86: {  	s1 =	simm.s32 $0x4000  }
0x87: {  	[tilespmem:s1], [sflag:$0x1] =	stream.indirect_vreg.gather [hbm4b:s2+s3], $0x80, v3, vm0, $0xb8;
	[tilespmem:$0x12000] =	vst v63  }
0x88: {  	s4 =	simm.s32 $0x4800  }
0x89: {  	[tilespmem:s4], [sflag:$0x1] =	stream.indirect_vreg.gather [hbm4b:s5+s3], $0x80, v3, vm0, $0xb8;
	[tilespmem:$0x12000] =	vst v63  }
0x8a: {  	s31 =	simm.s32 $0x5000  }
0x8b: {  	[tilespmem:s31], [sflag:$0x1] =	stream.indirect_vreg.gather [hbm4b:s6+s3], $0x80, v3, vm0, $0xb8;
	[tilespmem:$0x12000] =	vst v63  }
0x8c: {  	_ = 	snop  }
0x8d: {  	[tilespmem:s15], [sflag:$0x1] =	stream.indirect_vreg.gather [hbm4b:s7+s3], $0x80, v3, vm0, $0xb8;
	[tilespmem:$0x12000] =	vst v63  }
0x8e: {  	_ =	swait.ge [sflag:s24], $0x4000  }
0x8f: {  	[sflag:s24] =	ssyncset.done $0x0  }
0x90: {  	s1 =	sadd.s32 $0x800, s30;
	s4 =	simm.s32 $0x6000;
	[sflag:s24] =	ssyncadd.s32 $0xFFFFC000  }
0x91: {  	[hbm4b:s1+s3] =	stream.linear.scatter [tilespmem:s4], [sflag:$0x5], $0x4000, $0x38;
	[tilespmem:$0x12000] =	vst v63  }
0x92: {  	_ =	swait.ge [sflag:s13], $0x4000  }
0x93: {  	[sflag:s13] =	ssyncset.done $0x0  }
0x94: {  	[sflag:s13] =	ssyncadd.s32 $0xFFFFC000  }
0x95: {  	v3 =	vld [tilespmem:s28+$0xFFFFFF00];
	_ =	sdelay $0x4  }
0x96: {  	v61 =	vshll.u32 v3, $0x3  }
0x97: {  	v3 =	vand.u32 $0x7, v3;
	v4 =	vand.u32 $0xFFFFFFC0, v61  }
0x98: {  	v3 =	vor.u32 v3, v4  }
0x99: {  	v4 =	vperm.xlane v3, v0;
	_ =	sdelay $0x1  }
0x9a: {  	v4 =	vadd.s32 v1, v4;
	_ =	sdelay $0x4  }
0x9b: {  	[tilespmem:s4], [sflag:$0x2] =	stream.indirect_vreg.gather [hbm4b:s2+s3], $0x80, v4, vm0, $0xb8;
	[tilespmem:$0x12000] =	vst v63  }
0x9c: {  	v3 =	vperm.xlane v3, v2  }
0x9d: {  	[tilespmem:s16], [sflag:$0x2] =	stream.indirect_vreg.gather [hbm4b:s5+s3], $0x80, v4, vm0, $0xb8;
	[tilespmem:$0x12000] =	vst v63  }
0x9e: {  	v3 =	vadd.s32 v1, v3  }
0x9f: {  	[tilespmem:s17], [sflag:$0x2] =	stream.indirect_vreg.gather [hbm4b:s6+s3], $0x80, v4, vm0, $0xb8;
	[tilespmem:$0x12000] =	vst v63  }
0xa0: {  	_ = 	snop  }
0xa1: {  	[tilespmem:s18], [sflag:$0x2] =	stream.indirect_vreg.gather [hbm4b:s7+s3], $0x80, v4, vm0, $0xb8;
	[tilespmem:$0x12000] =	vst v63  }
0xa2: {  	_ = 	snop  }
0xa3: {  	[tilespmem:s19], [sflag:$0x2] =	stream.indirect_vreg.gather [hbm4b:s2+s3], $0x80, v3, vm0, $0xb8;
	[tilespmem:$0x12000] =	vst v63  }
0xa4: {  	_ = 	snop  }
0xa5: {  	[tilespmem:s20], [sflag:$0x2] =	stream.indirect_vreg.gather [hbm4b:s5+s3], $0x80, v3, vm0, $0xb8;
	[tilespmem:$0x12000] =	vst v63  }
0xa6: {  	_ = 	snop  }
0xa7: {  	[tilespmem:s21], [sflag:$0x2] =	stream.indirect_vreg.gather [hbm4b:s6+s3], $0x80, v3, vm0, $0xb8;
	[tilespmem:$0x12000] =	vst v63  }
0xa8: {  	_ = 	snop  }
0xa9: {  	[tilespmem:s14], [sflag:$0x2] =	stream.indirect_vreg.gather [hbm4b:s7+s3], $0x80, v3, vm0, $0xb8;
	[tilespmem:$0x12000] =	vst v63  }
0xaa: {  	_ =	swait.ge [sflag:s25], $0x4000  }
0xab: {  	[sflag:s25] =	ssyncset.done $0x0  }
0xac: {  	s31 =	simm.s32 $0xA000;
	s4 =	sadd.s32 $0x1000, s30;
	[sflag:s25] =	ssyncadd.s32 $0xFFFFC000  }
0xad: {  	[hbm4b:s4+s3] =	stream.linear.scatter [tilespmem:s31], [sflag:$0x5], $0x4000, $0x38;
	[tilespmem:$0x12000] =	vst v63  }
0xae: {  	_ =	swait.ge [sflag:s13], $0x4000  }
0xaf: {  	[sflag:s13] =	ssyncset.done $0x0  }
0xb0: {  	[sflag:s13] =	ssyncadd.s32 $0xFFFFC000  }
0xb1: {  	v3 =	vld [tilespmem:s28+$0xFFFFFF80];
	_ =	sdelay $0x4  }
0xb2: {  	v62 =	vshll.u32 v3, $0x3  }
0xb3: {  	v3 =	vand.u32 $0x7, v3;
	v4 =	vand.u32 $0xFFFFFFC0, v62  }
0xb4: {  	v3 =	vor.u32 v3, v4  }
0xb5: {  	v4 =	vperm.xlane v3, v0;
	_ =	sdelay $0x1  }
0xb6: {  	v4 =	vadd.s32 v1, v4;
	_ =	sdelay $0x4  }
0xb7: {  	[tilespmem:s31], [sflag:$0x3] =	stream.indirect_vreg.gather [hbm4b:s2+s3], $0x80, v4, vm0, $0xb8;
	[tilespmem:$0x12000] =	vst v63  }
0xb8: {  	v3 =	vperm.xlane v3, v2  }
0xb9: {  	[tilespmem:s8], [sflag:$0x3] =	stream.indirect_vreg.gather [hbm4b:s5+s3], $0x80, v4, vm0, $0xb8;
	[tilespmem:$0x12000] =	vst v63  }
0xba: {  	v3 =	vadd.s32 v1, v3  }
0xbb: {  	[tilespmem:s9], [sflag:$0x3] =	stream.indirect_vreg.gather [hbm4b:s6+s3], $0x80, v4, vm0, $0xb8;
	[tilespmem:$0x12000] =	vst v63  }
0xbc: {  	s31 =	simm.s32 $0xB800  }
0xbd: {  	[tilespmem:s31], [sflag:$0x3] =	stream.indirect_vreg.gather [hbm4b:s7+s3], $0x80, v4, vm0, $0xb8;
	[tilespmem:$0x12000] =	vst v63  }
0xbe: {  	s31 =	simm.s32 $0xC000  }
0xbf: {  	[tilespmem:s31], [sflag:$0x3] =	stream.indirect_vreg.gather [hbm4b:s2+s3], $0x80, v3, vm0, $0xb8;
	[tilespmem:$0x12000] =	vst v63  }
0xc0: {  	s31 =	simm.s32 $0xC800  }
0xc1: {  	[tilespmem:s31], [sflag:$0x3] =	stream.indirect_vreg.gather [hbm4b:s5+s3], $0x80, v3, vm0, $0xb8;
	[tilespmem:$0x12000] =	vst v63  }
0xc2: {  	s31 =	simm.s32 $0xD000  }
0xc3: {  	[tilespmem:s31], [sflag:$0x3] =	stream.indirect_vreg.gather [hbm4b:s6+s3], $0x80, v3, vm0, $0xb8;
	[tilespmem:$0x12000] =	vst v63  }
0xc4: {  	s31 =	simm.s32 $0xD800  }
0xc5: {  	[tilespmem:s31], [sflag:$0x3] =	stream.indirect_vreg.gather [hbm4b:s7+s3], $0x80, v3, vm0, $0xb8;
	[tilespmem:$0x12000] =	vst v63  }
0xc6: {  	_ =	swait.ge [sflag:s26], $0x4000  }
0xc7: {  	[sflag:s26] =	ssyncset.done $0x0  }
0xc8: {  	s30 =	sadd.s32 $0x1800, s30;
	[sflag:s26] =	ssyncadd.s32 $0xFFFFC000  }
0xc9: {  	[hbm4b:s30+s3] =	stream.linear.scatter [tilespmem:s12], [sflag:$0x5], $0x4000, $0x38;
	[tilespmem:$0x12000] =	vst v63  }
0xca: {  	_ =	swait.ge [sflag:s13], $0x4000  }
0xcb: {  	[sflag:s13] =	ssyncset.done $0x0  }
0xcc: {  	[sflag:s13] =	ssyncadd.s32 $0xFFFFC000  }
0xcd: {  	v3 =	vld [tilespmem:s28+$0x0];
	_ =	sdelay $0x4  }
0xce: {  	v63 =	vshll.u32 v3, $0x3  }
0xcf: {  	v3 =	vand.u32 $0x7, v3;
	v4 =	vand.u32 $0xFFFFFFC0, v63  }
0xd0: {  	v3 =	vor.u32 v3, v4  }
0xd1: {  	v4 =	vperm.xlane v3, v0;
	_ =	sdelay $0x1  }
0xd2: {  	v4 =	vadd.s32 v1, v4;
	_ =	sdelay $0x4  }
0xd3: {  	[tilespmem:s12], [sflag:$0x4] =	stream.indirect_vreg.gather [hbm4b:s2+s3], $0x80, v4, vm0, $0xb8;
	[tilespmem:$0x12000] =	vst v63  }
0xd4: {  	s31 =	simm.s32 $0xE800;
	v3 =	vperm.xlane v3, v2  }
0xd5: {  	[tilespmem:s31], [sflag:$0x4] =	stream.indirect_vreg.gather [hbm4b:s5+s3], $0x80, v4, vm0, $0xb8;
	[tilespmem:$0x12000] =	vst v63  }
0xd6: {  	s30 =	simm.s32 $0xF000;
	v3 =	vadd.s32 v1, v3  }
0xd7: {  	[tilespmem:s30], [sflag:$0x4] =	stream.indirect_vreg.gather [hbm4b:s6+s3], $0x80, v4, vm0, $0xb8;
	[tilespmem:$0x12000] =	vst v63  }
0xd8: {  	s31 =	simm.s32 $0xF800  }
0xd9: {  	[tilespmem:s31], [sflag:$0x4] =	stream.indirect_vreg.gather [hbm4b:s7+s3], $0x80, v4, vm0, $0xb8;
	[tilespmem:$0x12000] =	vst v63  }
0xda: {  	s30 =	simm.s32 $0x10000  }
0xdb: {  	[tilespmem:s30], [sflag:$0x4] =	stream.indirect_vreg.gather [hbm4b:s2+s3], $0x80, v3, vm0, $0xb8;
	[tilespmem:$0x12000] =	vst v63  }
0xdc: {  	p0 =	sne.s32 s29, $0x1C000;
	s31 =	simm.s32 $0x10800  }
0xdd: {  	[tilespmem:s31], [sflag:$0x4] =	stream.indirect_vreg.gather [hbm4b:s5+s3], $0x80, v3, vm0, $0xb8;
	[tilespmem:$0x12000] =	vst v63  }
.Ltmp0:
0xde: {  	_ = 	snop;
	(pc) =	sbr.rel @p0 .LBB2_2-.Ltmp0, $4  }
0xdf: {  	s22 =	simm.s32 $0x2000;
	s29 =	sadd.s32 $0x2000, s29  }
0xe0: {  	[tilespmem:s10], [sflag:$0x4] =	stream.indirect_vreg.gather [hbm4b:s6+s3], $0x80, v3, vm0, $0xb8;
	[tilespmem:$0x12000] =	vst v63  }
0xe1: {  	s1 =	simm.s32 $0x6000;
	s4 =	simm.s32 $0xA000;
	s28 =	sadd.s32 $0x200, s28  }
0xe2: {  	[tilespmem:s11], [sflag:$0x4] =	stream.indirect_vreg.gather [hbm4b:s7+s3], $0x80, v3, vm0, $0xb8;
	[tilespmem:$0x12000] =	vst v63  }
0xe3: {  	_ =	swait.ge [sflag:s23], $0x4000  }
0xe4: {  	[sflag:s23] =	ssyncset.done $0x0  }
0xe5: {  	s0 =	rddreg [dreg:$0x6];
	[sflag:s23] =	ssyncadd.s32 $0xFFFFC000  }
0xe6: {  	[hbm4b:s0+s3] =	stream.linear.scatter [tilespmem:s22], [sflag:$0x5], $0x4000, $0x38;
	[tilespmem:$0x12000] =	vst v63  }
0xe7: {  	_ =	swait.ge [sflag:s13], $0x4000  }
0xe8: {  	[sflag:s13] =	ssyncset.done $0x0  }
0xe9: {  	[sflag:s13] =	ssyncadd.s32 $0xFFFFC000  }
0xea: {  	_ =	swait.ge [sflag:s24], $0x4000  }
0xeb: {  	[sflag:s24] =	ssyncset.done $0x0  }
0xec: {  	s18 =	rddreg [dreg:$0x7];
	[sflag:s24] =	ssyncadd.s32 $0xFFFFC000  }
0xed: {  	[hbm4b:s18+s3] =	stream.linear.scatter [tilespmem:s1], [sflag:$0x5], $0x4000, $0x38;
	[tilespmem:$0x12000] =	vst v63  }
0xee: {  	_ =	swait.ge [sflag:s13], $0x4000  }
0xef: {  	[sflag:s13] =	ssyncset.done $0x0  }
0xf0: {  	[sflag:s13] =	ssyncadd.s32 $0xFFFFC000  }
0xf1: {  	_ =	swait.ge [sflag:s25], $0x4000  }
0xf2: {  	[sflag:s25] =	ssyncset.done $0x0  }
0xf3: {  	s19 =	rddreg [dreg:$0x8];
	[sflag:s25] =	ssyncadd.s32 $0xFFFFC000  }
0xf4: {  	[hbm4b:s19+s3] =	stream.linear.scatter [tilespmem:s4], [sflag:$0x5], $0x4000, $0x38;
	[tilespmem:$0x12000] =	vst v63  }
0xf5: {  	_ =	swait.ge [sflag:s13], $0x4000  }
0xf6: {  	[sflag:s13] =	ssyncset.done $0x0  }
0xf7: {  	[sflag:s13] =	ssyncadd.s32 $0xFFFFC000  }
0xf8: {  	_ =	swait.ge [sflag:s26], $0x4000  }
0xf9: {  	[sflag:s26] =	ssyncset.done $0x0  }
0xfa: {  	s20 =	rddreg [dreg:$0x9];
	[sflag:s26] =	ssyncadd.s32 $0xFFFFC000  }
0xfb: {  	[hbm4b:s20+s3] =	stream.linear.scatter [tilespmem:s12], [sflag:$0x5], $0x4000, $0x38;
	[tilespmem:$0x12000] =	vst v63  }
0xfc: {  	_ =	swait.ge [sflag:s13], $0x4000  }
0xfd: {  	s28 =	simm.s32 $0x2800;
	s31 =	simm.s32 $0x3000;
	s8 =	rddreg [dreg:$0xb]  }
0xfe: {  	s9 =	simm.s32 $0x4000;
	s21 =	rddreg [dreg:$0xa];
	s8 =	sadd.s32 $0x1, s8  }
0xff: {  	s10 =	simm.s32 $0x4800;
	s11 =	simm.s32 $0x5000;
	p0 =	sne.s32 s8, s21  }
.Ltmp1:
0x100: {  	s15 =	simm.s32 $0x5800;
	s16 =	simm.s32 $0x6800;
	(pc) =	sbr.rel @p0 .LBB2_1-.Ltmp1, $4  }
0x101: {  	s17 =	simm.s32 $0x7000;
	s14 =	simm.s32 $0x9800;
	s29 =	simm.s32 $0xA800  }
0x102: {  	s30 =	simm.s32 $0xB000;
	s18 =	simm.s32 $0x7800;
	[sflag:s13] =	ssyncset.done $0x0  }
0x103: {  	s19 =	simm.s32 $0x8000;
	s20 =	simm.s32 $0x8800;
	[sflag:s13] =	ssyncadd.s32 $0xFFFFC000  }
0x104: {  	[dreg:$0xb] =	wrdreg s8;
	s8 =	simm.s32 $0x3800;
	s21 =	simm.s32 $0x9000  }
0x105: {  	_ =	sfence.sel $0x180000  }
0x106: {  	[bflag:$0x0] =	sbarrier.arrive $0xFFFF  }
0x107: {  	_ =	strace $0x90000047  }
0x108: {  	s0 =	stileid.u32;
	[bflag:$0x2] =	sbarrier.arrive $0xFFFF  }
0x109: {  	p0 =	sne.s32 s0, $0x0;
	s0 =	rddreg [dreg:$0x3]  }
0x10a: {  	s0 =	sadd.s32 @!p0 $0x100000, s0  }
0x10b: {  	[sflag:s0] =	ssyncadd.tile.s32 @!p0 $0x1;
	_ =	shalt  }
.Lfunc_end2:
_tile_overlayer_lowered:
.L_overlay_start_2:
0x10c: {  	(tag) =	ssettag $0x2  }
0x10d: {  	s0 =	rddreg [dreg:$0x0];
	s2 =	stileid.u32  }
0x10e: {  	s1 =	rddreg [dreg:$0x1];
	p0 =	sne.s32 s2, $0x0  }
0x10f: {  	s3 =	rddreg [dreg:$0x2];
	[bflag:$0x3] =	sbarrier.arrive $0xFFFF;
	s2 =	simm.s32 @!p0 $0x1C05  }
0x110: {  	[timem:s3], [sflag:s2] =	dma.local @!p0 [hbm:s0], s1  }
0x111: {  	s0 =	simm.s32 @!p0 $0x5  }
0x112: {  	_ =	swait.ge @!p0 [sflag:s0], s1  }
0x113: {  	s1 =	ssub.s32 @!p0 $0x0, s1;
	[sflag:s0] =	ssyncset.done @!p0 $0x0  }
0x114: {  	[sflag:s0] =	ssyncadd.s32 @!p0 s1  }
0x115: {  	[bflag:$0x3] =	sbarrier.arrive $0xFFFF  }
0x116: {  	_ =	shalt  }

</sc_bundles>
